<compile_context>
chip_gen: v7x
topology: tpu7x:2x2x1
jax: 0.10.2.dev20260603
libtpu: 0.0.44.dev20260713+nightly
codegen_flags: <defaults>
</compile_context>

<pallas_src>
import functools

import jax
import jax.numpy as jnp
from jax import lax
from jax.experimental import pallas as pl
from jax.experimental.pallas import tpu as pltpu
from jax.experimental.pallas import tpu_sc as plsc

N_NODES = 10000
N_EDGES = 320000
D = 128

NC = 2
NS = 16
NW = NC * NS
CH = 128
NCH = 80
CHG = 256
NG = NCH // 2
E_PAD = NW * NCH * CH
ROWS = 10240
RPT = ROWS // NS
BLK = 1000


def _mm_body(feat_ref, wn_ref, ws_ref, b_ref, hsrc_ref, hself_ref):
    f = feat_ref[...]
    dn = (((1,), (1,)), ((), ()))
    hsrc_ref[...] = lax.dot_general(f, wn_ref[...], dn,
                                    preferred_element_type=jnp.float32)
    hself_ref[...] = lax.dot_general(f, ws_ref[...], dn,
                                     preferred_element_type=jnp.float32) + b_ref[...]


def _agg_body(h_hbm, src_hbm, dst_hbm, acc_out, deg_out,
              src_v, didx0_v, didx1_v, rows_v, ones_v, zdeg_v,
              acc_sh, deg_sh, sem0, semd0, semd1):
    c = lax.axis_index("c")
    s = lax.axis_index("s")
    wid = c * NS + s

    def _zrow(i, _):
        for j in range(8):
            rows_v[i, pl.ds(j * 16, 16)] = jnp.zeros((16,), jnp.float32)
        return 0
    lax.fori_loop(0, CHG, _zrow, 0)
    for j in range(CH // 16):
        ones_v[pl.ds(j * 16, 16)] = jnp.ones((16,), jnp.float32)
    def _zdeg(i, _):
        zdeg_v[pl.ds(i * 16, 16)] = jnp.zeros((16,), jnp.float32)
        return 0
    lax.fori_loop(0, RPT // 16, _zdeg, 0)

    base = s * RPT
    for k in range(RPT // CHG):
        pltpu.sync_copy(rows_v, acc_sh.at[pl.ds(base + k * CHG, CHG)])
    pltpu.sync_copy(rows_v.at[pl.ds(0, RPT % CHG)],
                    acc_sh.at[pl.ds(base + (RPT // CHG) * CHG, RPT % CHG)])
    pltpu.sync_copy(zdeg_v, deg_sh.at[pl.ds(base, RPT)])
    plsc.subcore_barrier()

    pltpu.sync_copy(src_hbm.at[wid], src_v)
    dst_w = dst_hbm.at[wid]

    def _step(g, _):
        j0 = 2 * g
        pltpu.async_copy(dst_w.at[j0], didx0_v, semd0)
        pltpu.async_copy(dst_w.at[j0 + 1], didx1_v, semd1)
        pltpu.async_copy(h_hbm.at[src_v.at[pl.ds(g * CHG, CHG)]],
                         rows_v, sem0).wait()
        pltpu.make_async_copy(dst_w.at[0], didx0_v, semd0).wait()
        pltpu.sync_copy(rows_v.at[pl.ds(0, CH)], acc_sh.at[didx0_v], add=True)
        pltpu.sync_copy(ones_v, deg_sh.at[didx0_v], add=True)
        pltpu.make_async_copy(dst_w.at[0], didx1_v, semd1).wait()
        pltpu.sync_copy(rows_v.at[pl.ds(CH, CH)], acc_sh.at[didx1_v], add=True)
        pltpu.sync_copy(ones_v, deg_sh.at[didx1_v], add=True)
        return 0
    lax.fori_loop(0, NG, _step, 0)
    plsc.subcore_barrier()

    for k in range(RPT // CH):
        pltpu.sync_copy(acc_sh.at[pl.ds(base + k * CH, CH)],
                        acc_out.at[c].at[pl.ds(base + k * CH, CH)])
    pltpu.sync_copy(deg_sh.at[pl.ds(base, RPT)],
                    deg_out.at[c].at[pl.ds(base, RPT)])


_agg = functools.partial(
    pl.kernel,
    out_type=[
        jax.ShapeDtypeStruct((NC, ROWS, D), jnp.float32),
        jax.ShapeDtypeStruct((NC, ROWS), jnp.float32),
    ],
    mesh=plsc.VectorSubcoreMesh(core_axis_name="c", subcore_axis_name="s"),
    scratch_types=[
        pltpu.VMEM((NCH * CH,), jnp.int32),
        pltpu.VMEM((CH,), jnp.int32),
        pltpu.VMEM((CH,), jnp.int32),
        pltpu.VMEM((CHG, D), jnp.float32),
        pltpu.VMEM((CH,), jnp.float32),
        pltpu.VMEM((RPT,), jnp.float32),
        pltpu.VMEM_SHARED((ROWS, D), jnp.float32),
        pltpu.VMEM_SHARED((ROWS,), jnp.float32),
        pltpu.SemaphoreType.DMA,
        pltpu.SemaphoreType.DMA,
        pltpu.SemaphoreType.DMA,
    ],
)(_agg_body)


def _ep_body(hself_ref, acc_ref, deg_ref, out_ref):
    ssum = acc_ref[0] + acc_ref[1]
    dr = deg_ref[...]
    d = dr[:, 0:1] + dr[:, 1:2]
    out_ref[...] = hself_ref[...] + ssum / jnp.maximum(d, 1.0)


@jax.jit
def kernel(feat, edge_index, W_neigh, W_self, b_self):
    src = edge_index[0].astype(jnp.int32)
    dst = edge_index[1].astype(jnp.int32)
    pad = E_PAD - N_EDGES
    src_p = jnp.concatenate([src, jnp.zeros((pad,), jnp.int32)])
    dst_p = jnp.concatenate([dst, jnp.full((pad,), N_NODES, jnp.int32)])
    src_p = src_p.reshape(NW, NCH * CH)
    dst_p = dst_p.reshape(NW, NCH, CH)

    grid = N_NODES // BLK
    h_src, h_self = pl.pallas_call(
        _mm_body,
        grid=(grid,),
        in_specs=[
            pl.BlockSpec((BLK, D), lambda i: (i, 0)),
            pl.BlockSpec((D, D), lambda i: (0, 0)),
            pl.BlockSpec((D, D), lambda i: (0, 0)),
            pl.BlockSpec((1, D), lambda i: (0, 0)),
        ],
        out_specs=[
            pl.BlockSpec((BLK, D), lambda i: (i, 0)),
            pl.BlockSpec((BLK, D), lambda i: (i, 0)),
        ],
        out_shape=[
            jax.ShapeDtypeStruct((N_NODES, D), jnp.float32),
            jax.ShapeDtypeStruct((N_NODES, D), jnp.float32),
        ],
    )(feat, W_neigh, W_self, b_self.reshape(1, D))

    acc, deg = _agg(h_src, src_p, dst_p)
    deg_t = deg.T

    rst = pl.pallas_call(
        _ep_body,
        grid=(grid,),
        in_specs=[
            pl.BlockSpec((BLK, D), lambda i: (i, 0)),
            pl.BlockSpec((NC, BLK, D), lambda i: (0, i, 0)),
            pl.BlockSpec((BLK, NC), lambda i: (i, 0)),
        ],
        out_specs=pl.BlockSpec((BLK, D), lambda i: (i, 0)),
        out_shape=jax.ShapeDtypeStruct((N_NODES, D), jnp.float32),
    )(h_self, acc, deg_t)
    return rst

# --- scband reference (transcript-rebuilt; emitter-appended) ---
"""Pipeline reference for scband-dgl-sageconv-32160715112812 (READ-ONLY COPY).

The authoritative reference and input builder live on the scoring server;
editing this copy changes nothing except your own understanding.
"""

import jax, jax.numpy as jnp
import numpy as np

N_NODES = 10000
N_EDGES = 320000
D_IN = 128
D_OUT = 128

def setup_inputs(seed: int = 0) -> dict:
    key = jax.random.key(seed)
    k1, k2, k3, k4 = jax.random.split(key, 4)
    feat = jax.random.normal(k1, (N_NODES, D_IN), dtype=jnp.float32)
    edge_index = jax.random.randint(k2, (2, N_EDGES), 0, N_NODES, dtype=jnp.int64)
    # xavier_uniform with gain=calculate_gain('relu')=sqrt(2)
    gain = float(np.sqrt(2.0))
    bound = gain * float(np.sqrt(6.0 / (D_IN + D_OUT)))
    W_neigh = jax.random.uniform(k3, (D_OUT, D_IN), dtype=jnp.float32, minval=-bound, maxval=bound)
    W_self = jax.random.uniform(k4, (D_OUT, D_IN), dtype=jnp.float32, minval=-bound, maxval=bound)
    b_self = jnp.zeros((D_OUT,), dtype=jnp.float32)
    return {"feat": feat, "edge_index": edge_index, "W_neigh": W_neigh, "W_self": W_self, "b_self": b_self}

def reference(feat, edge_index, W_neigh, W_self, b_self):
    # feat_drop with p=0.0 is identity; homogeneous graph so feat_src = feat_dst = feat
    src = edge_index[0]
    dst = edge_index[1]
    # mean aggregator: project neighbors first, then mean over incoming edges
    h_src = feat @ W_neigh.T  # fc_neigh (no bias)
    msgs = jnp.take(h_src, src, axis=0)  # copy_u gather
    summed = jax.ops.segment_sum(msgs, dst, num_segments=N_NODES)
    deg = jax.ops.segment_sum(jnp.ones((N_EDGES,), dtype=jnp.float32), dst, num_segments=N_NODES)
    h_neigh = summed / jnp.maximum(deg, 1.0)[:, None]  # zero in-degree -> 0 (summed is 0)
    rst = feat @ W_self.T + b_self + h_neigh  # fc_self(h_self) + h_neigh
    return rst

if __name__ == "__main__":
    import jax
    _d = setup_inputs()
    print(jax.jit(kernel)(*tuple(_d.values())))

</pallas_src>

<mosaic_0001>
#map = affine_map<(d0, d1) -> (0, 0)>
#map1 = affine_map<(d0, d1) -> (0, 0, 0)>
module attributes {stable_mosaic.version = 14 : i64} {
  func.func @_agg_body(%arg0: i32, %arg1: i32, %arg2: memref<10000x128xf32, #tpu.memory_space<hbm>>, %arg3: memref<32x10240xi32, #tpu.memory_space<hbm>>, %arg4: memref<32x80x128xi32, #tpu.memory_space<hbm>>, %arg5: memref<2x10240x128xf32, #tpu.memory_space<hbm>>, %arg6: memref<2x10240xf32, #tpu.memory_space<hbm>>, %arg7: memref<10240xi32, #tpu.memory_space<vmem>>, %arg8: memref<128xi32, #tpu.memory_space<vmem>>, %arg9: memref<128xi32, #tpu.memory_space<vmem>>, %arg10: memref<256x128xf32, #tpu.memory_space<vmem>>, %arg11: memref<128xf32, #tpu.memory_space<vmem>>, %arg12: memref<640xf32, #tpu.memory_space<vmem>>, %arg13: memref<10240x128xf32, #tpu.memory_space<vmem_shared>>, %arg14: memref<10240xf32, #tpu.memory_space<vmem_shared>>, %arg15: memref<!tpu.dma_semaphore, #tpu.memory_space<semaphore_mem>>, %arg16: memref<!tpu.dma_semaphore, #tpu.memory_space<semaphore_mem>>, %arg17: memref<!tpu.dma_semaphore, #tpu.memory_space<semaphore_mem>>) attributes {dimension_semantics = [#tpu.dimension_semantics<core_parallel>, #tpu.dimension_semantics<subcore_parallel>], iteration_bounds = array<i64: 2, 16>, scalar_prefetch = 0 : i64, scratch_operands = 11 : i64, tpu.core_type = #tpu.core_type<sc_vector_subcore>, window_params = [{transform_indices = #map}, {transform_indices = #map}, {transform_indices = #map1}, {transform_indices = #map1}, {transform_indices = #map}]} {
    %mul3A = arith.constant 16 : i32
    %mul3A_0 = arith.muli %arg0, %mul3A : i32
    %add3A = arith.addi %mul3A_0, %arg1 : i32
    %scan3A = arith.constant 0 : i32
    %scan3A_1 = arith.constant 0 : i32
    %scan3A_2 = arith.constant 256 : i32
    %scan3A_3 = arith.addi %scan3A_1, %scan3A_2 : i32
    %scan3A_4 = arith.constant 1 : i32
    %scan3A_5 = scf.for %scan3A_96 = %scan3A_1 to %scan3A_3 step %scan3A_4 iter_args(%scan3A_97 = %scan3A) -> (i32)  : i32 {
      %broadcast_in_dim3A_98 = arith.constant 0.000000e+00 : f32
      %broadcast_in_dim3A_99 = vector.broadcast %broadcast_in_dim3A_98 : f32 to vector<16xf32>
      %swap3A_100 = arith.index_cast %scan3A_96 : i32 to index
      %swap3A_101 = arith.constant 0 : index
      %swap3A_102 = tpu.vector_load %arg10[%swap3A_100, %swap3A_101] {strides = array<i32>} : memref<256x128xf32, #tpu.memory_space<vmem>>, vector<1x16xf32>,
      %swap3A_103 = vector.shape_cast %swap3A_102 : vector<1x16xf32> to vector<16xf32>
      %swap3A_104 = vector.shape_cast %broadcast_in_dim3A_99 : vector<16xf32> to vector<1x16xf32>
      tpu.vector_store %arg10[%swap3A_100, %swap3A_101], %swap3A_104 {strides = array<i32>} : memref<256x128xf32, #tpu.memory_space<vmem>>, vector<1x16xf32>,
      %broadcast_in_dim3A_105 = arith.constant 0.000000e+00 : f32
      %broadcast_in_dim3A_106 = vector.broadcast %broadcast_in_dim3A_105 : f32 to vector<16xf32>
      %swap3A_107 = arith.index_cast %scan3A_96 : i32 to index
      %swap3A_108 = arith.constant 16 : index
      %swap3A_109 = tpu.vector_load %arg10[%swap3A_107, %swap3A_108] {strides = array<i32>} : memref<256x128xf32, #tpu.memory_space<vmem>>, vector<1x16xf32>,
      %swap3A_110 = vector.shape_cast %swap3A_109 : vector<1x16xf32> to vector<16xf32>
      %swap3A_111 = vector.shape_cast %broadcast_in_dim3A_106 : vector<16xf32> to vector<1x16xf32>
      tpu.vector_store %arg10[%swap3A_107, %swap3A_108], %swap3A_111 {strides = array<i32>} : memref<256x128xf32, #tpu.memory_space<vmem>>, vector<1x16xf32>,
      %broadcast_in_dim3A_112 = arith.constant 0.000000e+00 : f32
      %broadcast_in_dim3A_113 = vector.broadcast %broadcast_in_dim3A_112 : f32 to vector<16xf32>
      %swap3A_114 = arith.index_cast %scan3A_96 : i32 to index
      %swap3A_115 = arith.constant 32 : index
      %swap3A_116 = tpu.vector_load %arg10[%swap3A_114, %swap3A_115] {strides = array<i32>} : memref<256x128xf32, #tpu.memory_space<vmem>>, vector<1x16xf32>,
      %swap3A_117 = vector.shape_cast %swap3A_116 : vector<1x16xf32> to vector<16xf32>
      %swap3A_118 = vector.shape_cast %broadcast_in_dim3A_113 : vector<16xf32> to vector<1x16xf32>
      tpu.vector_store %arg10[%swap3A_114, %swap3A_115], %swap3A_118 {strides = array<i32>} : memref<256x128xf32, #tpu.memory_space<vmem>>, vector<1x16xf32>,
      %broadcast_in_dim3A_119 = arith.constant 0.000000e+00 : f32
      %broadcast_in_dim3A_120 = vector.broadcast %broadcast_in_dim3A_119 : f32 to vector<16xf32>
      %swap3A_121 = arith.index_cast %scan3A_96 : i32 to index
      %swap3A_122 = arith.constant 48 : index
      %swap3A_123 = tpu.vector_load %arg10[%swap3A_121, %swap3A_122] {strides = array<i32>} : memref<256x128xf32, #tpu.memory_space<vmem>>, vector<1x16xf32>,
      %swap3A_124 = vector.shape_cast %swap3A_123 : vector<1x16xf32> to vector<16xf32>
      %swap3A_125 = vector.shape_cast %broadcast_in_dim3A_120 : vector<16xf32> to vector<1x16xf32>
      tpu.vector_store %arg10[%swap3A_121, %swap3A_122], %swap3A_125 {strides = array<i32>} : memref<256x128xf32, #tpu.memory_space<vmem>>, vector<1x16xf32>,
      %broadcast_in_dim3A_126 = arith.constant 0.000000e+00 : f32
      %broadcast_in_dim3A_127 = vector.broadcast %broadcast_in_dim3A_126 : f32 to vector<16xf32>
      %swap3A_128 = arith.index_cast %scan3A_96 : i32 to index
      %swap3A_129 = arith.constant 64 : index
      %swap3A_130 = tpu.vector_load %arg10[%swap3A_128, %swap3A_129] {strides = array<i32>} : memref<256x128xf32, #tpu.memory_space<vmem>>, vector<1x16xf32>,
      %swap3A_131 = vector.shape_cast %swap3A_130 : vector<1x16xf32> to vector<16xf32>
      %swap3A_132 = vector.shape_cast %broadcast_in_dim3A_127 : vector<16xf32> to vector<1x16xf32>
      tpu.vector_store %arg10[%swap3A_128, %swap3A_129], %swap3A_132 {strides = array<i32>} : memref<256x128xf32, #tpu.memory_space<vmem>>, vector<1x16xf32>,
      %broadcast_in_dim3A_133 = arith.constant 0.000000e+00 : f32
      %broadcast_in_dim3A_134 = vector.broadcast %broadcast_in_dim3A_133 : f32 to vector<16xf32>
      %swap3A_135 = arith.index_cast %scan3A_96 : i32 to index
      %swap3A_136 = arith.constant 80 : index
      %swap3A_137 = tpu.vector_load %arg10[%swap3A_135, %swap3A_136] {strides = array<i32>} : memref<256x128xf32, #tpu.memory_space<vmem>>, vector<1x16xf32>,
      %swap3A_138 = vector.shape_cast %swap3A_137 : vector<1x16xf32> to vector<16xf32>
      %swap3A_139 = vector.shape_cast %broadcast_in_dim3A_134 : vector<16xf32> to vector<1x16xf32>
      tpu.vector_store %arg10[%swap3A_135, %swap3A_136], %swap3A_139 {strides = array<i32>} : memref<256x128xf32, #tpu.memory_space<vmem>>, vector<1x16xf32>,
      %broadcast_in_dim3A_140 = arith.constant 0.000000e+00 : f32
      %broadcast_in_dim3A_141 = vector.broadcast %broadcast_in_dim3A_140 : f32 to vector<16xf32>
      %swap3A_142 = arith.index_cast %scan3A_96 : i32 to index
      %swap3A_143 = arith.constant 96 : index
      %swap3A_144 = tpu.vector_load %arg10[%swap3A_142, %swap3A_143] {strides = array<i32>} : memref<256x128xf32, #tpu.memory_space<vmem>>, vector<1x16xf32>,
      %swap3A_145 = vector.shape_cast %swap3A_144 : vector<1x16xf32> to vector<16xf32>
      %swap3A_146 = vector.shape_cast %broadcast_in_dim3A_141 : vector<16xf32> to vector<1x16xf32>
      tpu.vector_store %arg10[%swap3A_142, %swap3A_143], %swap3A_146 {strides = array<i32>} : memref<256x128xf32, #tpu.memory_space<vmem>>, vector<1x16xf32>,
      %broadcast_in_dim3A_147 = arith.constant 0.000000e+00 : f32
      %broadcast_in_dim3A_148 = vector.broadcast %broadcast_in_dim3A_147 : f32 to vector<16xf32>
      %swap3A_149 = arith.index_cast %scan3A_96 : i32 to index
      %swap3A_150 = arith.constant 112 : index
      %swap3A_151 = tpu.vector_load %arg10[%swap3A_149, %swap3A_150] {strides = array<i32>} : memref<256x128xf32, #tpu.memory_space<vmem>>, vector<1x16xf32>,
      %swap3A_152 = vector.shape_cast %swap3A_151 : vector<1x16xf32> to vector<16xf32>
      %swap3A_153 = vector.shape_cast %broadcast_in_dim3A_148 : vector<16xf32> to vector<1x16xf32>
      tpu.vector_store %arg10[%swap3A_149, %swap3A_150], %swap3A_153 {strides = array<i32>} : memref<256x128xf32, #tpu.memory_space<vmem>>, vector<1x16xf32>,
      %scan3A_154 = arith.constant 0 : i32
      scf.yield %scan3A_154 : i32
    }
    %scan3A_6 = arith.constant 256 : i32
    %broadcast_in_dim3A = arith.constant 1.000000e+00 : f32
    %broadcast_in_dim3A_7 = vector.broadcast %broadcast_in_dim3A : f32 to vector<16xf32>
    %swap3A = arith.constant 0 : index
    %swap3A_8 = tpu.vector_load %arg11[%swap3A] {strides = array<i32>} : memref<128xf32, #tpu.memory_space<vmem>>, vector<16xf32>,
    %swap3A_9 = vector.shape_cast %swap3A_8 : vector<16xf32> to vector<16xf32>
    %swap3A_10 = vector.shape_cast %broadcast_in_dim3A_7 : vector<16xf32> to vector<16xf32>
    tpu.vector_store %arg11[%swap3A], %swap3A_10 {strides = array<i32>} : memref<128xf32, #tpu.memory_space<vmem>>, vector<16xf32>,
    %broadcast_in_dim3A_11 = arith.constant 1.000000e+00 : f32
    %broadcast_in_dim3A_12 = vector.broadcast %broadcast_in_dim3A_11 : f32 to vector<16xf32>
    %swap3A_13 = arith.constant 16 : index
    %swap3A_14 = tpu.vector_load %arg11[%swap3A_13] {strides = array<i32>} : memref<128xf32, #tpu.memory_space<vmem>>, vector<16xf32>,
    %swap3A_15 = vector.shape_cast %swap3A_14 : vector<16xf32> to vector<16xf32>
    %swap3A_16 = vector.shape_cast %broadcast_in_dim3A_12 : vector<16xf32> to vector<16xf32>
    tpu.vector_store %arg11[%swap3A_13], %swap3A_16 {strides = array<i32>} : memref<128xf32, #tpu.memory_space<vmem>>, vector<16xf32>,
    %broadcast_in_dim3A_17 = arith.constant 1.000000e+00 : f32
    %broadcast_in_dim3A_18 = vector.broadcast %broadcast_in_dim3A_17 : f32 to vector<16xf32>
    %swap3A_19 = arith.constant 32 : index
    %swap3A_20 = tpu.vector_load %arg11[%swap3A_19] {strides = array<i32>} : memref<128xf32, #tpu.memory_space<vmem>>, vector<16xf32>,
    %swap3A_21 = vector.shape_cast %swap3A_20 : vector<16xf32> to vector<16xf32>
    %swap3A_22 = vector.shape_cast %broadcast_in_dim3A_18 : vector<16xf32> to vector<16xf32>
    tpu.vector_store %arg11[%swap3A_19], %swap3A_22 {strides = array<i32>} : memref<128xf32, #tpu.memory_space<vmem>>, vector<16xf32>,
    %broadcast_in_dim3A_23 = arith.constant 1.000000e+00 : f32
    %broadcast_in_dim3A_24 = vector.broadcast %broadcast_in_dim3A_23 : f32 to vector<16xf32>
    %swap3A_25 = arith.constant 48 : index
    %swap3A_26 = tpu.vector_load %arg11[%swap3A_25] {strides = array<i32>} : memref<128xf32, #tpu.memory_space<vmem>>, vector<16xf32>,
    %swap3A_27 = vector.shape_cast %swap3A_26 : vector<16xf32> to vector<16xf32>
    %swap3A_28 = vector.shape_cast %broadcast_in_dim3A_24 : vector<16xf32> to vector<16xf32>
    tpu.vector_store %arg11[%swap3A_25], %swap3A_28 {strides = array<i32>} : memref<128xf32, #tpu.memory_space<vmem>>, vector<16xf32>,
    %broadcast_in_dim3A_29 = arith.constant 1.000000e+00 : f32
    %broadcast_in_dim3A_30 = vector.broadcast %broadcast_in_dim3A_29 : f32 to vector<16xf32>
    %swap3A_31 = arith.constant 64 : index
    %swap3A_32 = tpu.vector_load %arg11[%swap3A_31] {strides = array<i32>} : memref<128xf32, #tpu.memory_space<vmem>>, vector<16xf32>,
    %swap3A_33 = vector.shape_cast %swap3A_32 : vector<16xf32> to vector<16xf32>
    %swap3A_34 = vector.shape_cast %broadcast_in_dim3A_30 : vector<16xf32> to vector<16xf32>
    tpu.vector_store %arg11[%swap3A_31], %swap3A_34 {strides = array<i32>} : memref<128xf32, #tpu.memory_space<vmem>>, vector<16xf32>,
    %broadcast_in_dim3A_35 = arith.constant 1.000000e+00 : f32
    %broadcast_in_dim3A_36 = vector.broadcast %broadcast_in_dim3A_35 : f32 to vector<16xf32>
    %swap3A_37 = arith.constant 80 : index
    %swap3A_38 = tpu.vector_load %arg11[%swap3A_37] {strides = array<i32>} : memref<128xf32, #tpu.memory_space<vmem>>, vector<16xf32>,
    %swap3A_39 = vector.shape_cast %swap3A_38 : vector<16xf32> to vector<16xf32>
    %swap3A_40 = vector.shape_cast %broadcast_in_dim3A_36 : vector<16xf32> to vector<16xf32>
    tpu.vector_store %arg11[%swap3A_37], %swap3A_40 {strides = array<i32>} : memref<128xf32, #tpu.memory_space<vmem>>, vector<16xf32>,
    %broadcast_in_dim3A_41 = arith.constant 1.000000e+00 : f32
    %broadcast_in_dim3A_42 = vector.broadcast %broadcast_in_dim3A_41 : f32 to vector<16xf32>
    %swap3A_43 = arith.constant 96 : index
    %swap3A_44 = tpu.vector_load %arg11[%swap3A_43] {strides = array<i32>} : memref<128xf32, #tpu.memory_space<vmem>>, vector<16xf32>,
    %swap3A_45 = vector.shape_cast %swap3A_44 : vector<16xf32> to vector<16xf32>
    %swap3A_46 = vector.shape_cast %broadcast_in_dim3A_42 : vector<16xf32> to vector<16xf32>
    tpu.vector_store %arg11[%swap3A_43], %swap3A_46 {strides = array<i32>} : memref<128xf32, #tpu.memory_space<vmem>>, vector<16xf32>,
    %broadcast_in_dim3A_47 = arith.constant 1.000000e+00 : f32
    %broadcast_in_dim3A_48 = vector.broadcast %broadcast_in_dim3A_47 : f32 to vector<16xf32>
    %swap3A_49 = arith.constant 112 : index
    %swap3A_50 = tpu.vector_load %arg11[%swap3A_49] {strides = array<i32>} : memref<128xf32, #tpu.memory_space<vmem>>, vector<16xf32>,
    %swap3A_51 = vector.shape_cast %swap3A_50 : vector<16xf32> to vector<16xf32>
    %swap3A_52 = vector.shape_cast %broadcast_in_dim3A_48 : vector<16xf32> to vector<16xf32>
    tpu.vector_store %arg11[%swap3A_49], %swap3A_52 {strides = array<i32>} : memref<128xf32, #tpu.memory_space<vmem>>, vector<16xf32>,
    %scan3A_53 = arith.constant 0 : i32
    %scan3A_54 = arith.constant 0 : i32
    %scan3A_55 = arith.constant 40 : i32
    %scan3A_56 = arith.addi %scan3A_54, %scan3A_55 : i32
    %scan3A_57 = arith.constant 1 : i32
    %scan3A_58 = scf.for %scan3A_96 = %scan3A_54 to %scan3A_56 step %scan3A_57 iter_args(%scan3A_97 = %scan3A_53) -> (i32)  : i32 {
      %broadcast_in_dim3A_98 = arith.constant 0.000000e+00 : f32
      %broadcast_in_dim3A_99 = vector.broadcast %broadcast_in_dim3A_98 : f32 to vector<16xf32>
      %mul3A_100 = arith.constant 16 : i32
      %mul3A_101 = arith.muli %scan3A_96, %mul3A_100 : i32
      %swap3A_102 = arith.index_cast %mul3A_101 : i32 to index
      %swap3A_103 = tpu.vector_load %arg12[%swap3A_102] {strides = array<i32>} : memref<640xf32, #tpu.memory_space<vmem>>, vector<16xf32>,
      %swap3A_104 = vector.shape_cast %swap3A_103 : vector<16xf32> to vector<16xf32>
      %swap3A_105 = vector.shape_cast %broadcast_in_dim3A_99 : vector<16xf32> to vector<16xf32>
      tpu.vector_store %arg12[%swap3A_102], %swap3A_105 {strides = array<i32>} : memref<640xf32, #tpu.memory_space<vmem>>, vector<16xf32>,
      %scan3A_106 = arith.constant 0 : i32
      scf.yield %scan3A_106 : i32
    }
    %scan3A_59 = arith.constant 40 : i32
    %mul3A_60 = arith.constant 640 : i32
    %mul3A_61 = arith.muli %arg1, %mul3A_60 : i32
    %add3A_62 = arith.constant 0 : i32
    %add3A_63 = arith.addi %mul3A_61, %add3A_62 : i32
    "tpu.region"() ({
      %run_scoped3A = tpu.sem_alloc : memref<!tpu.dma_semaphore, #tpu.memory_space<semaphore_mem>>
      %dma_start3A = arith.constant 0 : i32
      %dma_start3A_96 = tpu.memref_slice %arg13[%add3A_63, %dma_start3A] : memref<10240x128xf32, #tpu.memory_space<vmem_shared>> -> memref<256x128xf32, #tpu.memory_space<vmem_shared>>
      %dma_start3A_97 = arith.constant 0 : i32
      %dma_start3A_98 = tpu.memref_slice %arg13[%add3A_63, %dma_start3A_97] : memref<10240x128xf32, #tpu.memory_space<vmem_shared>> -> memref<256x128xf32, #tpu.memory_space<vmem_shared>>
      tpu.enqueue_dma source(%arg10 : memref<256x128xf32, #tpu.memory_space<vmem>>) target(%dma_start3A_98 : memref<256x128xf32, #tpu.memory_space<vmem_shared>>) target_semaphore(%run_scoped3A : memref<!tpu.dma_semaphore, #tpu.memory_space<semaphore_mem>>)
      %dma_wait3A = arith.constant 0 : i32
      %dma_wait3A_99 = tpu.memref_slice %arg13[%add3A_63, %dma_wait3A] : memref<10240x128xf32, #tpu.memory_space<vmem_shared>> -> memref<256x128xf32, #tpu.memory_space<vmem_shared>>
      %dma_wait3A_100 = arith.constant 0 : i32
      %dma_wait3A_101 = tpu.memref_slice %arg13[%add3A_63, %dma_wait3A_100] : memref<10240x128xf32, #tpu.memory_space<vmem_shared>> -> memref<256x128xf32, #tpu.memory_space<vmem_shared>>
      tpu.wait_dma2 semaphore(%run_scoped3A : memref<!tpu.dma_semaphore, #tpu.memory_space<semaphore_mem>>) src(%arg10 : memref<256x128xf32, #tpu.memory_space<vmem>>) dst(%dma_wait3A_101 : memref<256x128xf32, #tpu.memory_space<vmem_shared>>)
      tpu.yield
    }) : () -> ()
    %add3A_64 = arith.constant 256 : i32
    %add3A_65 = arith.addi %mul3A_61, %add3A_64 : i32
    "tpu.region"() ({
      %run_scoped3A = tpu.sem_alloc : memref<!tpu.dma_semaphore, #tpu.memory_space<semaphore_mem>>
      %dma_start3A = arith.constant 0 : i32
      %dma_start3A_96 = tpu.memref_slice %arg13[%add3A_65, %dma_start3A] : memref<10240x128xf32, #tpu.memory_space<vmem_shared>> -> memref<256x128xf32, #tpu.memory_space<vmem_shared>>
      %dma_start3A_97 = arith.constant 0 : i32
      %dma_start3A_98 = tpu.memref_slice %arg13[%add3A_65, %dma_start3A_97] : memref<10240x128xf32, #tpu.memory_space<vmem_shared>> -> memref<256x128xf32, #tpu.memory_space<vmem_shared>>
      tpu.enqueue_dma source(%arg10 : memref<256x128xf32, #tpu.memory_space<vmem>>) target(%dma_start3A_98 : memref<256x128xf32, #tpu.memory_space<vmem_shared>>) target_semaphore(%run_scoped3A : memref<!tpu.dma_semaphore, #tpu.memory_space<semaphore_mem>>)
      %dma_wait3A = arith.constant 0 : i32
      %dma_wait3A_99 = tpu.memref_slice %arg13[%add3A_65, %dma_wait3A] : memref<10240x128xf32, #tpu.memory_space<vmem_shared>> -> memref<256x128xf32, #tpu.memory_space<vmem_shared>>
      %dma_wait3A_100 = arith.constant 0 : i32
      %dma_wait3A_101 = tpu.memref_slice %arg13[%add3A_65, %dma_wait3A_100] : memref<10240x128xf32, #tpu.memory_space<vmem_shared>> -> memref<256x128xf32, #tpu.memory_space<vmem_shared>>
      tpu.wait_dma2 semaphore(%run_scoped3A : memref<!tpu.dma_semaphore, #tpu.memory_space<semaphore_mem>>) src(%arg10 : memref<256x128xf32, #tpu.memory_space<vmem>>) dst(%dma_wait3A_101 : memref<256x128xf32, #tpu.memory_space<vmem_shared>>)
      tpu.yield
    }) : () -> ()
    %add3A_66 = arith.constant 512 : i32
    %add3A_67 = arith.addi %mul3A_61, %add3A_66 : i32
    "tpu.region"() ({
      %run_scoped3A = tpu.sem_alloc : memref<!tpu.dma_semaphore, #tpu.memory_space<semaphore_mem>>
      %dma_start3A = arith.constant 0 : i32
      %dma_start3A_96 = arith.constant 0 : i32
      %dma_start3A_97 = tpu.memref_slice %arg10[%dma_start3A, %dma_start3A_96] : memref<256x128xf32, #tpu.memory_space<vmem>> -> memref<128x128xf32, #tpu.memory_space<vmem>>
      %dma_start3A_98 = arith.constant 0 : i32
      %dma_start3A_99 = tpu.memref_slice %arg13[%add3A_67, %dma_start3A_98] : memref<10240x128xf32, #tpu.memory_space<vmem_shared>> -> memref<128x128xf32, #tpu.memory_space<vmem_shared>>
      %dma_start3A_100 = arith.constant 0 : i32
      %dma_start3A_101 = tpu.memref_slice %arg13[%add3A_67, %dma_start3A_100] : memref<10240x128xf32, #tpu.memory_space<vmem_shared>> -> memref<128x128xf32, #tpu.memory_space<vmem_shared>>
      %dma_start3A_102 = arith.constant 0 : i32
      %dma_start3A_103 = arith.constant 0 : i32
      %dma_start3A_104 = tpu.memref_slice %arg10[%dma_start3A_102, %dma_start3A_103] : memref<256x128xf32, #tpu.memory_space<vmem>> -> memref<128x128xf32, #tpu.memory_space<vmem>>
      tpu.enqueue_dma source(%dma_start3A_104 : memref<128x128xf32, #tpu.memory_space<vmem>>) target(%dma_start3A_101 : memref<128x128xf32, #tpu.memory_space<vmem_shared>>) target_semaphore(%run_scoped3A : memref<!tpu.dma_semaphore, #tpu.memory_space<semaphore_mem>>)
      %dma_wait3A = arith.constant 0 : i32
      %dma_wait3A_105 = arith.constant 0 : i32
      %dma_wait3A_106 = tpu.memref_slice %arg10[%dma_wait3A, %dma_wait3A_105] : memref<256x128xf32, #tpu.memory_space<vmem>> -> memref<128x128xf32, #tpu.memory_space<vmem>>
      %dma_wait3A_107 = arith.constant 0 : i32
      %dma_wait3A_108 = tpu.memref_slice %arg13[%add3A_67, %dma_wait3A_107] : memref<10240x128xf32, #tpu.memory_space<vmem_shared>> -> memref<128x128xf32, #tpu.memory_space<vmem_shared>>
      %dma_wait3A_109 = arith.constant 0 : i32
      %dma_wait3A_110 = tpu.memref_slice %arg13[%add3A_67, %dma_wait3A_109] : memref<10240x128xf32, #tpu.memory_space<vmem_shared>> -> memref<128x128xf32, #tpu.memory_space<vmem_shared>>
      %dma_wait3A_111 = arith.constant 0 : i32
      %dma_wait3A_112 = arith.constant 0 : i32
      %dma_wait3A_113 = tpu.memref_slice %arg10[%dma_wait3A_111, %dma_wait3A_112] : memref<256x128xf32, #tpu.memory_space<vmem>> -> memref<128x128xf32, #tpu.memory_space<vmem>>
      tpu.wait_dma2 semaphore(%run_scoped3A : memref<!tpu.dma_semaphore, #tpu.memory_space<semaphore_mem>>) src(%dma_wait3A_113 : memref<128x128xf32, #tpu.memory_space<vmem>>) dst(%dma_wait3A_110 : memref<128x128xf32, #tpu.memory_space<vmem_shared>>)
      tpu.yield
    }) : () -> ()
    "tpu.region"() ({
      %run_scoped3A = tpu.sem_alloc : memref<!tpu.dma_semaphore, #tpu.memory_space<semaphore_mem>>
      %dma_start3A = tpu.memref_slice %arg14[%mul3A_61] : memref<10240xf32, #tpu.memory_space<vmem_shared>> -> memref<640xf32, #tpu.memory_space<vmem_shared>>
      %dma_start3A_96 = tpu.memref_slice %arg14[%mul3A_61] : memref<10240xf32, #tpu.memory_space<vmem_shared>> -> memref<640xf32, #tpu.memory_space<vmem_shared>>
      tpu.enqueue_dma source(%arg12 : memref<640xf32, #tpu.memory_space<vmem>>) target(%dma_start3A_96 : memref<640xf32, #tpu.memory_space<vmem_shared>>) target_semaphore(%run_scoped3A : memref<!tpu.dma_semaphore, #tpu.memory_space<semaphore_mem>>)
      %dma_wait3A = tpu.memref_slice %arg14[%mul3A_61] : memref<10240xf32, #tpu.memory_space<vmem_shared>> -> memref<640xf32, #tpu.memory_space<vmem_shared>>
      %dma_wait3A_97 = tpu.memref_slice %arg14[%mul3A_61] : memref<10240xf32, #tpu.memory_space<vmem_shared>> -> memref<640xf32, #tpu.memory_space<vmem_shared>>
      tpu.wait_dma2 semaphore(%run_scoped3A : memref<!tpu.dma_semaphore, #tpu.memory_space<semaphore_mem>>) src(%arg12 : memref<640xf32, #tpu.memory_space<vmem>>) dst(%dma_wait3A_97 : memref<640xf32, #tpu.memory_space<vmem_shared>>)
      tpu.yield
    }) : () -> ()
    %barrier3A = arith.constant 0 : index
    tpu.barrier barrier_id(%barrier3A)
    "tpu.region"() ({
      %run_scoped3A = tpu.sem_alloc : memref<!tpu.dma_semaphore, #tpu.memory_space<semaphore_mem>>
      %dma_start3A = arith.constant 0 : i32
      %dma_start3A_96 = tpu.memref_slice %arg3[%add3A, %dma_start3A] : memref<32x10240xi32, #tpu.memory_space<hbm>> -> memref<1x10240xi32, #tpu.memory_space<hbm>>
      %dma_start3A_97 = tpu.memref_squeeze %dma_start3A_96 : memref<1x10240xi32, #tpu.memory_space<hbm>> -> memref<10240xi32, #tpu.memory_space<hbm>>
      %dma_start3A_98 = arith.constant 0 : i32
      %dma_start3A_99 = tpu.memref_slice %arg3[%add3A, %dma_start3A_98] : memref<32x10240xi32, #tpu.memory_space<hbm>> -> memref<1x10240xi32, #tpu.memory_space<hbm>>
      %dma_start3A_100 = tpu.memref_squeeze %dma_start3A_99 : memref<1x10240xi32, #tpu.memory_space<hbm>> -> memref<10240xi32, #tpu.memory_space<hbm>>
      tpu.enqueue_dma source(%dma_start3A_100 : memref<10240xi32, #tpu.memory_space<hbm>>) target(%arg7 : memref<10240xi32, #tpu.memory_space<vmem>>) target_semaphore(%run_scoped3A : memref<!tpu.dma_semaphore, #tpu.memory_space<semaphore_mem>>)
      %dma_wait3A = arith.constant 0 : i32
      %dma_wait3A_101 = tpu.memref_slice %arg3[%add3A, %dma_wait3A] : memref<32x10240xi32, #tpu.memory_space<hbm>> -> memref<1x10240xi32, #tpu.memory_space<hbm>>
      %dma_wait3A_102 = tpu.memref_squeeze %dma_wait3A_101 : memref<1x10240xi32, #tpu.memory_space<hbm>> -> memref<10240xi32, #tpu.memory_space<hbm>>
      %dma_wait3A_103 = arith.constant 0 : i32
      %dma_wait3A_104 = tpu.memref_slice %arg3[%add3A, %dma_wait3A_103] : memref<32x10240xi32, #tpu.memory_space<hbm>> -> memref<1x10240xi32, #tpu.memory_space<hbm>>
      %dma_wait3A_105 = tpu.memref_squeeze %dma_wait3A_104 : memref<1x10240xi32, #tpu.memory_space<hbm>> -> memref<10240xi32, #tpu.memory_space<hbm>>
      tpu.wait_dma2 semaphore(%run_scoped3A : memref<!tpu.dma_semaphore, #tpu.memory_space<semaphore_mem>>) src(%dma_wait3A_105 : memref<10240xi32, #tpu.memory_space<hbm>>) dst(%arg7 : memref<10240xi32, #tpu.memory_space<vmem>>)
      tpu.yield
    }) : () -> ()
    %scan3A_68 = arith.constant 0 : i32
    %scan3A_69 = arith.constant 0 : i32
    %scan3A_70 = arith.constant 40 : i32
    %scan3A_71 = arith.addi %scan3A_69, %scan3A_70 : i32
    %scan3A_72 = arith.constant 1 : i32
    %scan3A_73 = scf.for %scan3A_96 = %scan3A_69 to %scan3A_71 step %scan3A_72 iter_args(%scan3A_97 = %scan3A_68) -> (i32)  : i32 {
      %mul3A_98 = arith.constant 2 : i32
      %mul3A_99 = arith.muli %mul3A_98, %scan3A_96 : i32
      %dma_start3A = arith.constant 0 : i32
      %dma_start3A_100 = arith.constant 0 : i32
      %dma_start3A_101 = tpu.memref_slice %arg4[%add3A, %dma_start3A, %dma_start3A_100] : memref<32x80x128xi32, #tpu.memory_space<hbm>> -> memref<1x80x128xi32, #tpu.memory_space<hbm>>
      %dma_start3A_102 = tpu.memref_squeeze %dma_start3A_101 : memref<1x80x128xi32, #tpu.memory_space<hbm>> -> memref<80x128xi32, #tpu.memory_space<hbm>>
      %dma_start3A_103 = arith.constant 0 : i32
      %dma_start3A_104 = tpu.memref_slice %dma_start3A_102[%mul3A_99, %dma_start3A_103] : memref<80x128xi32, #tpu.memory_space<hbm>> -> memref<1x128xi32, #tpu.memory_space<hbm>>
      %dma_start3A_105 = tpu.memref_squeeze %dma_start3A_104 : memref<1x128xi32, #tpu.memory_space<hbm>> -> memref<128xi32, #tpu.memory_space<hbm>>
      %dma_start3A_106 = arith.constant 0 : i32
      %dma_start3A_107 = arith.constant 0 : i32
      %dma_start3A_108 = tpu.memref_slice %arg4[%add3A, %dma_start3A_106, %dma_start3A_107] : memref<32x80x128xi32, #tpu.memory_space<hbm>> -> memref<1x80x128xi32, #tpu.memory_space<hbm>>
      %dma_start3A_109 = tpu.memref_squeeze %dma_start3A_108 : memref<1x80x128xi32, #tpu.memory_space<hbm>> -> memref<80x128xi32, #tpu.memory_space<hbm>>
      %dma_start3A_110 = arith.constant 0 : i32
      %dma_start3A_111 = tpu.memref_slice %dma_start3A_109[%mul3A_99, %dma_start3A_110] : memref<80x128xi32, #tpu.memory_space<hbm>> -> memref<1x128xi32, #tpu.memory_space<hbm>>
      %dma_start3A_112 = tpu.memref_squeeze %dma_start3A_111 : memref<1x128xi32, #tpu.memory_space<hbm>> -> memref<128xi32, #tpu.memory_space<hbm>>
      tpu.enqueue_dma source(%dma_start3A_112 : memref<128xi32, #tpu.memory_space<hbm>>) target(%arg8 : memref<128xi32, #tpu.memory_space<vmem>>) target_semaphore(%arg16 : memref<!tpu.dma_semaphore, #tpu.memory_space<semaphore_mem>>)
      %add3A_113 = arith.constant 1 : i32
      %add3A_114 = arith.addi %mul3A_99, %add3A_113 : i32
      %dma_start3A_115 = arith.constant 0 : i32
      %dma_start3A_116 = arith.constant 0 : i32
      %dma_start3A_117 = tpu.memref_slice %arg4[%add3A, %dma_start3A_115, %dma_start3A_116] : memref<32x80x128xi32, #tpu.memory_space<hbm>> -> memref<1x80x128xi32, #tpu.memory_space<hbm>>
      %dma_start3A_118 = tpu.memref_squeeze %dma_start3A_117 : memref<1x80x128xi32, #tpu.memory_space<hbm>> -> memref<80x128xi32, #tpu.memory_space<hbm>>
      %dma_start3A_119 = arith.constant 0 : i32
      %dma_start3A_120 = tpu.memref_slice %dma_start3A_118[%add3A_114, %dma_start3A_119] : memref<80x128xi32, #tpu.memory_space<hbm>> -> memref<1x128xi32, #tpu.memory_space<hbm>>
      %dma_start3A_121 = tpu.memref_squeeze %dma_start3A_120 : memref<1x128xi32, #tpu.memory_space<hbm>> -> memref<128xi32, #tpu.memory_space<hbm>>
      %dma_start3A_122 = arith.constant 0 : i32
      %dma_start3A_123 = arith.constant 0 : i32
      %dma_start3A_124 = tpu.memref_slice %arg4[%add3A, %dma_start3A_122, %dma_start3A_123] : memref<32x80x128xi32, #tpu.memory_space<hbm>> -> memref<1x80x128xi32, #tpu.memory_space<hbm>>
      %dma_start3A_125 = tpu.memref_squeeze %dma_start3A_124 : memref<1x80x128xi32, #tpu.memory_space<hbm>> -> memref<80x128xi32, #tpu.memory_space<hbm>>
      %dma_start3A_126 = arith.constant 0 : i32
      %dma_start3A_127 = tpu.memref_slice %dma_start3A_125[%add3A_114, %dma_start3A_126] : memref<80x128xi32, #tpu.memory_space<hbm>> -> memref<1x128xi32, #tpu.memory_space<hbm>>
      %dma_start3A_128 = tpu.memref_squeeze %dma_start3A_127 : memref<1x128xi32, #tpu.memory_space<hbm>> -> memref<128xi32, #tpu.memory_space<hbm>>
      tpu.enqueue_dma source(%dma_start3A_128 : memref<128xi32, #tpu.memory_space<hbm>>) target(%arg9 : memref<128xi32, #tpu.memory_space<vmem>>) target_semaphore(%arg17 : memref<!tpu.dma_semaphore, #tpu.memory_space<semaphore_mem>>)
      %mul3A_129 = arith.constant 256 : i32
      %mul3A_130 = arith.muli %scan3A_96, %mul3A_129 : i32
      %dma_start3A_131 = tpu.memref_slice %arg7[%mul3A_130] : memref<10240xi32, #tpu.memory_space<vmem>> -> memref<256xi32, #tpu.memory_space<vmem>>
      %dma_start3A_132 = arith.constant 0 : i32
      %dma_start3A_133 = arith.constant 0 : i32
      %dma_start3A_134 = tpu.memref_slice %arg2[%dma_start3A_132, %dma_start3A_133] : memref<10000x128xf32, #tpu.memory_space<hbm>> -> memref<10000x128xf32, #tpu.memory_space<hbm>>
      tpu.enqueue_indirect_dma source(%dma_start3A_134 : memref<10000x128xf32, #tpu.memory_space<hbm>>) target(%arg10 : memref<256x128xf32, #tpu.memory_space<vmem>>) offsets(%dma_start3A_131 : memref<256xi32, #tpu.memory_space<vmem>>) semaphore(%arg15 : memref<!tpu.dma_semaphore, #tpu.memory_space<semaphore_mem>>)
      %dma_wait3A = tpu.memref_slice %arg7[%mul3A_130] : memref<10240xi32, #tpu.memory_space<vmem>> -> memref<256xi32, #tpu.memory_space<vmem>>
      %dma_wait3A_135 = arith.constant 0 : i32
      %dma_wait3A_136 = arith.constant 0 : i32
      %dma_wait3A_137 = tpu.memref_slice %arg2[%dma_wait3A_135, %dma_wait3A_136] : memref<10000x128xf32, #tpu.memory_space<hbm>> -> memref<10000x128xf32, #tpu.memory_space<hbm>>
      tpu.wait_indirect_dma semaphore(%arg15 : memref<!tpu.dma_semaphore, #tpu.memory_space<semaphore_mem>>) src(%dma_wait3A_137 : memref<10000x128xf32, #tpu.memory_space<hbm>>) dst(%arg10 : memref<256x128xf32, #tpu.memory_space<vmem>>)
      %dma_wait3A_138 = arith.constant 0 : i32
      %dma_wait3A_139 = arith.constant 0 : i32
      %dma_wait3A_140 = arith.constant 0 : i32
      %dma_wait3A_141 = tpu.memref_slice %arg4[%add3A, %dma_wait3A_139, %dma_wait3A_140] : memref<32x80x128xi32, #tpu.memory_space<hbm>> -> memref<1x80x128xi32, #tpu.memory_space<hbm>>
      %dma_wait3A_142 = tpu.memref_squeeze %dma_wait3A_141 : memref<1x80x128xi32, #tpu.memory_space<hbm>> -> memref<80x128xi32, #tpu.memory_space<hbm>>
      %dma_wait3A_143 = arith.constant 0 : i32
      %dma_wait3A_144 = tpu.memref_slice %dma_wait3A_142[%dma_wait3A_138, %dma_wait3A_143] : memref<80x128xi32, #tpu.memory_space<hbm>> -> memref<1x128xi32, #tpu.memory_space<hbm>>
      %dma_wait3A_145 = tpu.memref_squeeze %dma_wait3A_144 : memref<1x128xi32, #tpu.memory_space<hbm>> -> memref<128xi32, #tpu.memory_space<hbm>>
      %dma_wait3A_146 = arith.constant 0 : i32
      %dma_wait3A_147 = arith.constant 0 : i32
      %dma_wait3A_148 = tpu.memref_slice %arg4[%add3A, %dma_wait3A_146, %dma_wait3A_147] : memref<32x80x128xi32, #tpu.memory_space<hbm>> -> memref<1x80x128xi32, #tpu.memory_space<hbm>>
      %dma_wait3A_149 = tpu.memref_squeeze %dma_wait3A_148 : memref<1x80x128xi32, #tpu.memory_space<hbm>> -> memref<80x128xi32, #tpu.memory_space<hbm>>
      %dma_wait3A_150 = arith.constant 0 : i32
      %dma_wait3A_151 = tpu.memref_slice %dma_wait3A_149[%dma_wait3A_138, %dma_wait3A_150] : memref<80x128xi32, #tpu.memory_space<hbm>> -> memref<1x128xi32, #tpu.memory_space<hbm>>
      %dma_wait3A_152 = tpu.memref_squeeze %dma_wait3A_151 : memref<1x128xi32, #tpu.memory_space<hbm>> -> memref<128xi32, #tpu.memory_space<hbm>>
      tpu.wait_dma2 semaphore(%arg16 : memref<!tpu.dma_semaphore, #tpu.memory_space<semaphore_mem>>) src(%dma_wait3A_152 : memref<128xi32, #tpu.memory_space<hbm>>) dst(%arg8 : memref<128xi32, #tpu.memory_space<vmem>>)
      "tpu.region"() ({
        %run_scoped3A = tpu.sem_alloc : memref<!tpu.dma_semaphore, #tpu.memory_space<semaphore_mem>>
        %dma_start3A_169 = arith.constant 0 : i32
        %dma_start3A_170 = arith.constant 0 : i32
        %dma_start3A_171 = tpu.memref_slice %arg10[%dma_start3A_169, %dma_start3A_170] : memref<256x128xf32, #tpu.memory_space<vmem>> -> memref<128x128xf32, #tpu.memory_space<vmem>>
        %dma_start3A_172 = arith.constant 0 : i32
        %dma_start3A_173 = arith.constant 0 : i32
        %dma_start3A_174 = tpu.memref_slice %arg13[%dma_start3A_172, %dma_start3A_173] : memref<10240x128xf32, #tpu.memory_space<vmem_shared>> -> memref<10240x128xf32, #tpu.memory_space<vmem_shared>>
        tpu.enqueue_indirect_dma source(%dma_start3A_171 : memref<128x128xf32, #tpu.memory_space<vmem>>) target(%dma_start3A_174 : memref<10240x128xf32, #tpu.memory_space<vmem_shared>>) offsets(%arg8 : memref<128xi32, #tpu.memory_space<vmem>>) semaphore(%run_scoped3A : memref<!tpu.dma_semaphore, #tpu.memory_space<semaphore_mem>>) {add = true}
        %dma_wait3A_175 = arith.constant 0 : i32
        %dma_wait3A_176 = arith.constant 0 : i32
        %dma_wait3A_177 = tpu.memref_slice %arg10[%dma_wait3A_175, %dma_wait3A_176] : memref<256x128xf32, #tpu.memory_space<vmem>> -> memref<128x128xf32, #tpu.memory_space<vmem>>
        %dma_wait3A_178 = arith.constant 0 : i32
        %dma_wait3A_179 = arith.constant 0 : i32
        %dma_wait3A_180 = tpu.memref_slice %arg13[%dma_wait3A_178, %dma_wait3A_179] : memref<10240x128xf32, #tpu.memory_space<vmem_shared>> -> memref<10240x128xf32, #tpu.memory_space<vmem_shared>>
        tpu.wait_indirect_dma semaphore(%run_scoped3A : memref<!tpu.dma_semaphore, #tpu.memory_space<semaphore_mem>>) src(%dma_wait3A_177 : memref<128x128xf32, #tpu.memory_space<vmem>>) dst(%dma_wait3A_180 : memref<10240x128xf32, #tpu.memory_space<vmem_shared>>)
        tpu.yield
      }) : () -> ()
      "tpu.region"() ({
        %run_scoped3A = tpu.sem_alloc : memref<!tpu.dma_semaphore, #tpu.memory_space<semaphore_mem>>
        %dma_start3A_169 = arith.constant 0 : i32
        %dma_start3A_170 = tpu.memref_slice %arg14[%dma_start3A_169] : memref<10240xf32, #tpu.memory_space<vmem_shared>> -> memref<10240xf32, #tpu.memory_space<vmem_shared>>
        tpu.enqueue_indirect_dma source(%arg11 : memref<128xf32, #tpu.memory_space<vmem>>) target(%dma_start3A_170 : memref<10240xf32, #tpu.memory_space<vmem_shared>>) offsets(%arg8 : memref<128xi32, #tpu.memory_space<vmem>>) semaphore(%run_scoped3A : memref<!tpu.dma_semaphore, #tpu.memory_space<semaphore_mem>>) {add = true}
        %dma_wait3A_171 = arith.constant 0 : i32
        %dma_wait3A_172 = tpu.memref_slice %arg14[%dma_wait3A_171] : memref<10240xf32, #tpu.memory_space<vmem_shared>> -> memref<10240xf32, #tpu.memory_space<vmem_shared>>
        tpu.wait_indirect_dma semaphore(%run_scoped3A : memref<!tpu.dma_semaphore, #tpu.memory_space<semaphore_mem>>) src(%arg11 : memref<128xf32, #tpu.memory_space<vmem>>) dst(%dma_wait3A_172 : memref<10240xf32, #tpu.memory_space<vmem_shared>>)
        tpu.yield
      }) : () -> ()
      %dma_wait3A_153 = arith.constant 0 : i32
      %dma_wait3A_154 = arith.constant 0 : i32
      %dma_wait3A_155 = arith.constant 0 : i32
      %dma_wait3A_156 = tpu.memref_slice %arg4[%add3A, %dma_wait3A_154, %dma_wait3A_155] : memref<32x80x128xi32, #tpu.memory_space<hbm>> -> memref<1x80x128xi32, #tpu.memory_space<hbm>>
      %dma_wait3A_157 = tpu.memref_squeeze %dma_wait3A_156 : memref<1x80x128xi32, #tpu.memory_space<hbm>> -> memref<80x128xi32, #tpu.memory_space<hbm>>
      %dma_wait3A_158 = arith.constant 0 : i32
      %dma_wait3A_159 = tpu.memref_slice %dma_wait3A_157[%dma_wait3A_153, %dma_wait3A_158] : memref<80x128xi32, #tpu.memory_space<hbm>> -> memref<1x128xi32, #tpu.memory_space<hbm>>
      %dma_wait3A_160 = tpu.memref_squeeze %dma_wait3A_159 : memref<1x128xi32, #tpu.memory_space<hbm>> -> memref<128xi32, #tpu.memory_space<hbm>>
      %dma_wait3A_161 = arith.constant 0 : i32
      %dma_wait3A_162 = arith.constant 0 : i32
      %dma_wait3A_163 = tpu.memref_slice %arg4[%add3A, %dma_wait3A_161, %dma_wait3A_162] : memref<32x80x128xi32, #tpu.memory_space<hbm>> -> memref<1x80x128xi32, #tpu.memory_space<hbm>>
      %dma_wait3A_164 = tpu.memref_squeeze %dma_wait3A_163 : memref<1x80x128xi32, #tpu.memory_space<hbm>> -> memref<80x128xi32, #tpu.memory_space<hbm>>
      %dma_wait3A_165 = arith.constant 0 : i32
      %dma_wait3A_166 = tpu.memref_slice %dma_wait3A_164[%dma_wait3A_153, %dma_wait3A_165] : memref<80x128xi32, #tpu.memory_space<hbm>> -> memref<1x128xi32, #tpu.memory_space<hbm>>
      %dma_wait3A_167 = tpu.memref_squeeze %dma_wait3A_166 : memref<1x128xi32, #tpu.memory_space<hbm>> -> memref<128xi32, #tpu.memory_space<hbm>>
      tpu.wait_dma2 semaphore(%arg17 : memref<!tpu.dma_semaphore, #tpu.memory_space<semaphore_mem>>) src(%dma_wait3A_167 : memref<128xi32, #tpu.memory_space<hbm>>) dst(%arg9 : memref<128xi32, #tpu.memory_space<vmem>>)
      "tpu.region"() ({
        %run_scoped3A = tpu.sem_alloc : memref<!tpu.dma_semaphore, #tpu.memory_space<semaphore_mem>>
        %dma_start3A_169 = arith.constant 128 : i32
        %dma_start3A_170 = arith.constant 0 : i32
        %dma_start3A_171 = tpu.memref_slice %arg10[%dma_start3A_169, %dma_start3A_170] : memref<256x128xf32, #tpu.memory_space<vmem>> -> memref<128x128xf32, #tpu.memory_space<vmem>>
        %dma_start3A_172 = arith.constant 0 : i32
        %dma_start3A_173 = arith.constant 0 : i32
        %dma_start3A_174 = tpu.memref_slice %arg13[%dma_start3A_172, %dma_start3A_173] : memref<10240x128xf32, #tpu.memory_space<vmem_shared>> -> memref<10240x128xf32, #tpu.memory_space<vmem_shared>>
        tpu.enqueue_indirect_dma source(%dma_start3A_171 : memref<128x128xf32, #tpu.memory_space<vmem>>) target(%dma_start3A_174 : memref<10240x128xf32, #tpu.memory_space<vmem_shared>>) offsets(%arg9 : memref<128xi32, #tpu.memory_space<vmem>>) semaphore(%run_scoped3A : memref<!tpu.dma_semaphore, #tpu.memory_space<semaphore_mem>>) {add = true}
        %dma_wait3A_175 = arith.constant 128 : i32
        %dma_wait3A_176 = arith.constant 0 : i32
        %dma_wait3A_177 = tpu.memref_slice %arg10[%dma_wait3A_175, %dma_wait3A_176] : memref<256x128xf32, #tpu.memory_space<vmem>> -> memref<128x128xf32, #tpu.memory_space<vmem>>
        %dma_wait3A_178 = arith.constant 0 : i32
        %dma_wait3A_179 = arith.constant 0 : i32
        %dma_wait3A_180 = tpu.memref_slice %arg13[%dma_wait3A_178, %dma_wait3A_179] : memref<10240x128xf32, #tpu.memory_space<vmem_shared>> -> memref<10240x128xf32, #tpu.memory_space<vmem_shared>>
        tpu.wait_indirect_dma semaphore(%run_scoped3A : memref<!tpu.dma_semaphore, #tpu.memory_space<semaphore_mem>>) src(%dma_wait3A_177 : memref<128x128xf32, #tpu.memory_space<vmem>>) dst(%dma_wait3A_180 : memref<10240x128xf32, #tpu.memory_space<vmem_shared>>)
        tpu.yield
      }) : () -> ()
      "tpu.region"() ({
        %run_scoped3A = tpu.sem_alloc : memref<!tpu.dma_semaphore, #tpu.memory_space<semaphore_mem>>
        %dma_start3A_169 = arith.constant 0 : i32
        %dma_start3A_170 = tpu.memref_slice %arg14[%dma_start3A_169] : memref<10240xf32, #tpu.memory_space<vmem_shared>> -> memref<10240xf32, #tpu.memory_space<vmem_shared>>
        tpu.enqueue_indirect_dma source(%arg11 : memref<128xf32, #tpu.memory_space<vmem>>) target(%dma_start3A_170 : memref<10240xf32, #tpu.memory_space<vmem_shared>>) offsets(%arg9 : memref<128xi32, #tpu.memory_space<vmem>>) semaphore(%run_scoped3A : memref<!tpu.dma_semaphore, #tpu.memory_space<semaphore_mem>>) {add = true}
        %dma_wait3A_171 = arith.constant 0 : i32
        %dma_wait3A_172 = tpu.memref_slice %arg14[%dma_wait3A_171] : memref<10240xf32, #tpu.memory_space<vmem_shared>> -> memref<10240xf32, #tpu.memory_space<vmem_shared>>
        tpu.wait_indirect_dma semaphore(%run_scoped3A : memref<!tpu.dma_semaphore, #tpu.memory_space<semaphore_mem>>) src(%arg11 : memref<128xf32, #tpu.memory_space<vmem>>) dst(%dma_wait3A_172 : memref<10240xf32, #tpu.memory_space<vmem_shared>>)
        tpu.yield
      }) : () -> ()
      %scan3A_168 = arith.constant 0 : i32
      scf.yield %scan3A_168 : i32
    }
    %scan3A_74 = arith.constant 40 : i32
    %barrier3A_75 = arith.constant 0 : index
    tpu.barrier barrier_id(%barrier3A_75)
    %add3A_76 = arith.constant 0 : i32
    %add3A_77 = arith.addi %mul3A_61, %add3A_76 : i32
    %add3A_78 = arith.constant 0 : i32
    %add3A_79 = arith.addi %mul3A_61, %add3A_78 : i32
    "tpu.region"() ({
      %run_scoped3A = tpu.sem_alloc : memref<!tpu.dma_semaphore, #tpu.memory_space<semaphore_mem>>
      %dma_start3A = arith.constant 0 : i32
      %dma_start3A_96 = arith.constant 0 : i32
      %dma_start3A_97 = tpu.memref_slice %arg5[%arg0, %dma_start3A, %dma_start3A_96] : memref<2x10240x128xf32, #tpu.memory_space<hbm>> -> memref<1x10240x128xf32, #tpu.memory_space<hbm>>
      %dma_start3A_98 = tpu.memref_squeeze %dma_start3A_97 : memref<1x10240x128xf32, #tpu.memory_space<hbm>> -> memref<10240x128xf32, #tpu.memory_space<hbm>>
      %dma_start3A_99 = arith.constant 0 : i32
      %dma_start3A_100 = tpu.memref_slice %dma_start3A_98[%add3A_79, %dma_start3A_99] : memref<10240x128xf32, #tpu.memory_space<hbm>> -> memref<128x128xf32, #tpu.memory_space<hbm>>
      %dma_start3A_101 = arith.constant 0 : i32
      %dma_start3A_102 = tpu.memref_slice %arg13[%add3A_77, %dma_start3A_101] : memref<10240x128xf32, #tpu.memory_space<vmem_shared>> -> memref<128x128xf32, #tpu.memory_space<vmem_shared>>
      tpu.enqueue_dma source(%dma_start3A_102 : memref<128x128xf32, #tpu.memory_space<vmem_shared>>) target(%dma_start3A_100 : memref<128x128xf32, #tpu.memory_space<hbm>>) target_semaphore(%run_scoped3A : memref<!tpu.dma_semaphore, #tpu.memory_space<semaphore_mem>>)
      %dma_wait3A = arith.constant 0 : i32
      %dma_wait3A_103 = arith.constant 0 : i32
      %dma_wait3A_104 = tpu.memref_slice %arg5[%arg0, %dma_wait3A, %dma_wait3A_103] : memref<2x10240x128xf32, #tpu.memory_space<hbm>> -> memref<1x10240x128xf32, #tpu.memory_space<hbm>>
      %dma_wait3A_105 = tpu.memref_squeeze %dma_wait3A_104 : memref<1x10240x128xf32, #tpu.memory_space<hbm>> -> memref<10240x128xf32, #tpu.memory_space<hbm>>
      %dma_wait3A_106 = arith.constant 0 : i32
      %dma_wait3A_107 = tpu.memref_slice %dma_wait3A_105[%add3A_79, %dma_wait3A_106] : memref<10240x128xf32, #tpu.memory_space<hbm>> -> memref<128x128xf32, #tpu.memory_space<hbm>>
      %dma_wait3A_108 = arith.constant 0 : i32
      %dma_wait3A_109 = tpu.memref_slice %arg13[%add3A_77, %dma_wait3A_108] : memref<10240x128xf32, #tpu.memory_space<vmem_shared>> -> memref<128x128xf32, #tpu.memory_space<vmem_shared>>
      tpu.wait_dma2 semaphore(%run_scoped3A : memref<!tpu.dma_semaphore, #tpu.memory_space<semaphore_mem>>) src(%dma_wait3A_109 : memref<128x128xf32, #tpu.memory_space<vmem_shared>>) dst(%dma_wait3A_107 : memref<128x128xf32, #tpu.memory_space<hbm>>)
      tpu.yield
    }) : () -> ()
    %add3A_80 = arith.constant 128 : i32
    %add3A_81 = arith.addi %mul3A_61, %add3A_80 : i32
    %add3A_82 = arith.constant 128 : i32
    %add3A_83 = arith.addi %mul3A_61, %add3A_82 : i32
    "tpu.region"() ({
      %run_scoped3A = tpu.sem_alloc : memref<!tpu.dma_semaphore, #tpu.memory_space<semaphore_mem>>
      %dma_start3A = arith.constant 0 : i32
      %dma_start3A_96 = arith.constant 0 : i32
      %dma_start3A_97 = tpu.memref_slice %arg5[%arg0, %dma_start3A, %dma_start3A_96] : memref<2x10240x128xf32, #tpu.memory_space<hbm>> -> memref<1x10240x128xf32, #tpu.memory_space<hbm>>
      %dma_start3A_98 = tpu.memref_squeeze %dma_start3A_97 : memref<1x10240x128xf32, #tpu.memory_space<hbm>> -> memref<10240x128xf32, #tpu.memory_space<hbm>>
      %dma_start3A_99 = arith.constant 0 : i32
      %dma_start3A_100 = tpu.memref_slice %dma_start3A_98[%add3A_83, %dma_start3A_99] : memref<10240x128xf32, #tpu.memory_space<hbm>> -> memref<128x128xf32, #tpu.memory_space<hbm>>
      %dma_start3A_101 = arith.constant 0 : i32
      %dma_start3A_102 = tpu.memref_slice %arg13[%add3A_81, %dma_start3A_101] : memref<10240x128xf32, #tpu.memory_space<vmem_shared>> -> memref<128x128xf32, #tpu.memory_space<vmem_shared>>
      tpu.enqueue_dma source(%dma_start3A_102 : memref<128x128xf32, #tpu.memory_space<vmem_shared>>) target(%dma_start3A_100 : memref<128x128xf32, #tpu.memory_space<hbm>>) target_semaphore(%run_scoped3A : memref<!tpu.dma_semaphore, #tpu.memory_space<semaphore_mem>>)
      %dma_wait3A = arith.constant 0 : i32
      %dma_wait3A_103 = arith.constant 0 : i32
      %dma_wait3A_104 = tpu.memref_slice %arg5[%arg0, %dma_wait3A, %dma_wait3A_103] : memref<2x10240x128xf32, #tpu.memory_space<hbm>> -> memref<1x10240x128xf32, #tpu.memory_space<hbm>>
      %dma_wait3A_105 = tpu.memref_squeeze %dma_wait3A_104 : memref<1x10240x128xf32, #tpu.memory_space<hbm>> -> memref<10240x128xf32, #tpu.memory_space<hbm>>
      %dma_wait3A_106 = arith.constant 0 : i32
      %dma_wait3A_107 = tpu.memref_slice %dma_wait3A_105[%add3A_83, %dma_wait3A_106] : memref<10240x128xf32, #tpu.memory_space<hbm>> -> memref<128x128xf32, #tpu.memory_space<hbm>>
      %dma_wait3A_108 = arith.constant 0 : i32
      %dma_wait3A_109 = tpu.memref_slice %arg13[%add3A_81, %dma_wait3A_108] : memref<10240x128xf32, #tpu.memory_space<vmem_shared>> -> memref<128x128xf32, #tpu.memory_space<vmem_shared>>
      tpu.wait_dma2 semaphore(%run_scoped3A : memref<!tpu.dma_semaphore, #tpu.memory_space<semaphore_mem>>) src(%dma_wait3A_109 : memref<128x128xf32, #tpu.memory_space<vmem_shared>>) dst(%dma_wait3A_107 : memref<128x128xf32, #tpu.memory_space<hbm>>)
      tpu.yield
    }) : () -> ()
    %add3A_84 = arith.constant 256 : i32
    %add3A_85 = arith.addi %mul3A_61, %add3A_84 : i32
    %add3A_86 = arith.constant 256 : i32
    %add3A_87 = arith.addi %mul3A_61, %add3A_86 : i32
    "tpu.region"() ({
      %run_scoped3A = tpu.sem_alloc : memref<!tpu.dma_semaphore, #tpu.memory_space<semaphore_mem>>
      %dma_start3A = arith.constant 0 : i32
      %dma_start3A_96 = arith.constant 0 : i32
      %dma_start3A_97 = tpu.memref_slice %arg5[%arg0, %dma_start3A, %dma_start3A_96] : memref<2x10240x128xf32, #tpu.memory_space<hbm>> -> memref<1x10240x128xf32, #tpu.memory_space<hbm>>
      %dma_start3A_98 = tpu.memref_squeeze %dma_start3A_97 : memref<1x10240x128xf32, #tpu.memory_space<hbm>> -> memref<10240x128xf32, #tpu.memory_space<hbm>>
      %dma_start3A_99 = arith.constant 0 : i32
      %dma_start3A_100 = tpu.memref_slice %dma_start3A_98[%add3A_87, %dma_start3A_99] : memref<10240x128xf32, #tpu.memory_space<hbm>> -> memref<128x128xf32, #tpu.memory_space<hbm>>
      %dma_start3A_101 = arith.constant 0 : i32
      %dma_start3A_102 = tpu.memref_slice %arg13[%add3A_85, %dma_start3A_101] : memref<10240x128xf32, #tpu.memory_space<vmem_shared>> -> memref<128x128xf32, #tpu.memory_space<vmem_shared>>
      tpu.enqueue_dma source(%dma_start3A_102 : memref<128x128xf32, #tpu.memory_space<vmem_shared>>) target(%dma_start3A_100 : memref<128x128xf32, #tpu.memory_space<hbm>>) target_semaphore(%run_scoped3A : memref<!tpu.dma_semaphore, #tpu.memory_space<semaphore_mem>>)
      %dma_wait3A = arith.constant 0 : i32
      %dma_wait3A_103 = arith.constant 0 : i32
      %dma_wait3A_104 = tpu.memref_slice %arg5[%arg0, %dma_wait3A, %dma_wait3A_103] : memref<2x10240x128xf32, #tpu.memory_space<hbm>> -> memref<1x10240x128xf32, #tpu.memory_space<hbm>>
      %dma_wait3A_105 = tpu.memref_squeeze %dma_wait3A_104 : memref<1x10240x128xf32, #tpu.memory_space<hbm>> -> memref<10240x128xf32, #tpu.memory_space<hbm>>
      %dma_wait3A_106 = arith.constant 0 : i32
      %dma_wait3A_107 = tpu.memref_slice %dma_wait3A_105[%add3A_87, %dma_wait3A_106] : memref<10240x128xf32, #tpu.memory_space<hbm>> -> memref<128x128xf32, #tpu.memory_space<hbm>>
      %dma_wait3A_108 = arith.constant 0 : i32
      %dma_wait3A_109 = tpu.memref_slice %arg13[%add3A_85, %dma_wait3A_108] : memref<10240x128xf32, #tpu.memory_space<vmem_shared>> -> memref<128x128xf32, #tpu.memory_space<vmem_shared>>
      tpu.wait_dma2 semaphore(%run_scoped3A : memref<!tpu.dma_semaphore, #tpu.memory_space<semaphore_mem>>) src(%dma_wait3A_109 : memref<128x128xf32, #tpu.memory_space<vmem_shared>>) dst(%dma_wait3A_107 : memref<128x128xf32, #tpu.memory_space<hbm>>)
      tpu.yield
    }) : () -> ()
    %add3A_88 = arith.constant 384 : i32
    %add3A_89 = arith.addi %mul3A_61, %add3A_88 : i32
    %add3A_90 = arith.constant 384 : i32
    %add3A_91 = arith.addi %mul3A_61, %add3A_90 : i32
    "tpu.region"() ({
      %run_scoped3A = tpu.sem_alloc : memref<!tpu.dma_semaphore, #tpu.memory_space<semaphore_mem>>
      %dma_start3A = arith.constant 0 : i32
      %dma_start3A_96 = arith.constant 0 : i32
      %dma_start3A_97 = tpu.memref_slice %arg5[%arg0, %dma_start3A, %dma_start3A_96] : memref<2x10240x128xf32, #tpu.memory_space<hbm>> -> memref<1x10240x128xf32, #tpu.memory_space<hbm>>
      %dma_start3A_98 = tpu.memref_squeeze %dma_start3A_97 : memref<1x10240x128xf32, #tpu.memory_space<hbm>> -> memref<10240x128xf32, #tpu.memory_space<hbm>>
      %dma_start3A_99 = arith.constant 0 : i32
      %dma_start3A_100 = tpu.memref_slice %dma_start3A_98[%add3A_91, %dma_start3A_99] : memref<10240x128xf32, #tpu.memory_space<hbm>> -> memref<128x128xf32, #tpu.memory_space<hbm>>
      %dma_start3A_101 = arith.constant 0 : i32
      %dma_start3A_102 = tpu.memref_slice %arg13[%add3A_89, %dma_start3A_101] : memref<10240x128xf32, #tpu.memory_space<vmem_shared>> -> memref<128x128xf32, #tpu.memory_space<vmem_shared>>
      tpu.enqueue_dma source(%dma_start3A_102 : memref<128x128xf32, #tpu.memory_space<vmem_shared>>) target(%dma_start3A_100 : memref<128x128xf32, #tpu.memory_space<hbm>>) target_semaphore(%run_scoped3A : memref<!tpu.dma_semaphore, #tpu.memory_space<semaphore_mem>>)
      %dma_wait3A = arith.constant 0 : i32
      %dma_wait3A_103 = arith.constant 0 : i32
      %dma_wait3A_104 = tpu.memref_slice %arg5[%arg0, %dma_wait3A, %dma_wait3A_103] : memref<2x10240x128xf32, #tpu.memory_space<hbm>> -> memref<1x10240x128xf32, #tpu.memory_space<hbm>>
      %dma_wait3A_105 = tpu.memref_squeeze %dma_wait3A_104 : memref<1x10240x128xf32, #tpu.memory_space<hbm>> -> memref<10240x128xf32, #tpu.memory_space<hbm>>
      %dma_wait3A_106 = arith.constant 0 : i32
      %dma_wait3A_107 = tpu.memref_slice %dma_wait3A_105[%add3A_91, %dma_wait3A_106] : memref<10240x128xf32, #tpu.memory_space<hbm>> -> memref<128x128xf32, #tpu.memory_space<hbm>>
      %dma_wait3A_108 = arith.constant 0 : i32
      %dma_wait3A_109 = tpu.memref_slice %arg13[%add3A_89, %dma_wait3A_108] : memref<10240x128xf32, #tpu.memory_space<vmem_shared>> -> memref<128x128xf32, #tpu.memory_space<vmem_shared>>
      tpu.wait_dma2 semaphore(%run_scoped3A : memref<!tpu.dma_semaphore, #tpu.memory_space<semaphore_mem>>) src(%dma_wait3A_109 : memref<128x128xf32, #tpu.memory_space<vmem_shared>>) dst(%dma_wait3A_107 : memref<128x128xf32, #tpu.memory_space<hbm>>)
      tpu.yield
    }) : () -> ()
    %add3A_92 = arith.constant 512 : i32
    %add3A_93 = arith.addi %mul3A_61, %add3A_92 : i32
    %add3A_94 = arith.constant 512 : i32
    %add3A_95 = arith.addi %mul3A_61, %add3A_94 : i32
    "tpu.region"() ({
      %run_scoped3A = tpu.sem_alloc : memref<!tpu.dma_semaphore, #tpu.memory_space<semaphore_mem>>
      %dma_start3A = arith.constant 0 : i32
      %dma_start3A_96 = arith.constant 0 : i32
      %dma_start3A_97 = tpu.memref_slice %arg5[%arg0, %dma_start3A, %dma_start3A_96] : memref<2x10240x128xf32, #tpu.memory_space<hbm>> -> memref<1x10240x128xf32, #tpu.memory_space<hbm>>
      %dma_start3A_98 = tpu.memref_squeeze %dma_start3A_97 : memref<1x10240x128xf32, #tpu.memory_space<hbm>> -> memref<10240x128xf32, #tpu.memory_space<hbm>>
      %dma_start3A_99 = arith.constant 0 : i32
      %dma_start3A_100 = tpu.memref_slice %dma_start3A_98[%add3A_95, %dma_start3A_99] : memref<10240x128xf32, #tpu.memory_space<hbm>> -> memref<128x128xf32, #tpu.memory_space<hbm>>
      %dma_start3A_101 = arith.constant 0 : i32
      %dma_start3A_102 = tpu.memref_slice %arg13[%add3A_93, %dma_start3A_101] : memref<10240x128xf32, #tpu.memory_space<vmem_shared>> -> memref<128x128xf32, #tpu.memory_space<vmem_shared>>
      tpu.enqueue_dma source(%dma_start3A_102 : memref<128x128xf32, #tpu.memory_space<vmem_shared>>) target(%dma_start3A_100 : memref<128x128xf32, #tpu.memory_space<hbm>>) target_semaphore(%run_scoped3A : memref<!tpu.dma_semaphore, #tpu.memory_space<semaphore_mem>>)
      %dma_wait3A = arith.constant 0 : i32
      %dma_wait3A_103 = arith.constant 0 : i32
      %dma_wait3A_104 = tpu.memref_slice %arg5[%arg0, %dma_wait3A, %dma_wait3A_103] : memref<2x10240x128xf32, #tpu.memory_space<hbm>> -> memref<1x10240x128xf32, #tpu.memory_space<hbm>>
      %dma_wait3A_105 = tpu.memref_squeeze %dma_wait3A_104 : memref<1x10240x128xf32, #tpu.memory_space<hbm>> -> memref<10240x128xf32, #tpu.memory_space<hbm>>
      %dma_wait3A_106 = arith.constant 0 : i32
      %dma_wait3A_107 = tpu.memref_slice %dma_wait3A_105[%add3A_95, %dma_wait3A_106] : memref<10240x128xf32, #tpu.memory_space<hbm>> -> memref<128x128xf32, #tpu.memory_space<hbm>>
      %dma_wait3A_108 = arith.constant 0 : i32
      %dma_wait3A_109 = tpu.memref_slice %arg13[%add3A_93, %dma_wait3A_108] : memref<10240x128xf32, #tpu.memory_space<vmem_shared>> -> memref<128x128xf32, #tpu.memory_space<vmem_shared>>
      tpu.wait_dma2 semaphore(%run_scoped3A : memref<!tpu.dma_semaphore, #tpu.memory_space<semaphore_mem>>) src(%dma_wait3A_109 : memref<128x128xf32, #tpu.memory_space<vmem_shared>>) dst(%dma_wait3A_107 : memref<128x128xf32, #tpu.memory_space<hbm>>)
      tpu.yield
    }) : () -> ()
    "tpu.region"() ({
      %run_scoped3A = tpu.sem_alloc : memref<!tpu.dma_semaphore, #tpu.memory_space<semaphore_mem>>
      %dma_start3A = arith.constant 0 : i32
      %dma_start3A_96 = tpu.memref_slice %arg6[%arg0, %dma_start3A] : memref<2x10240xf32, #tpu.memory_space<hbm>> -> memref<1x10240xf32, #tpu.memory_space<hbm>>
      %dma_start3A_97 = tpu.memref_squeeze %dma_start3A_96 : memref<1x10240xf32, #tpu.memory_space<hbm>> -> memref<10240xf32, #tpu.memory_space<hbm>>
      %dma_start3A_98 = tpu.memref_slice %dma_start3A_97[%mul3A_61] : memref<10240xf32, #tpu.memory_space<hbm>> -> memref<640xf32, #tpu.memory_space<hbm>>
      %dma_start3A_99 = tpu.memref_slice %arg14[%mul3A_61] : memref<10240xf32, #tpu.memory_space<vmem_shared>> -> memref<640xf32, #tpu.memory_space<vmem_shared>>
      tpu.enqueue_dma source(%dma_start3A_99 : memref<640xf32, #tpu.memory_space<vmem_shared>>) target(%dma_start3A_98 : memref<640xf32, #tpu.memory_space<hbm>>) target_semaphore(%run_scoped3A : memref<!tpu.dma_semaphore, #tpu.memory_space<semaphore_mem>>)
      %dma_wait3A = arith.constant 0 : i32
      %dma_wait3A_100 = tpu.memref_slice %arg6[%arg0, %dma_wait3A] : memref<2x10240xf32, #tpu.memory_space<hbm>> -> memref<1x10240xf32, #tpu.memory_space<hbm>>
      %dma_wait3A_101 = tpu.memref_squeeze %dma_wait3A_100 : memref<1x10240xf32, #tpu.memory_space<hbm>> -> memref<10240xf32, #tpu.memory_space<hbm>>
      %dma_wait3A_102 = tpu.memref_slice %dma_wait3A_101[%mul3A_61] : memref<10240xf32, #tpu.memory_space<hbm>> -> memref<640xf32, #tpu.memory_space<hbm>>
      %dma_wait3A_103 = tpu.memref_slice %arg14[%mul3A_61] : memref<10240xf32, #tpu.memory_space<vmem_shared>> -> memref<640xf32, #tpu.memory_space<vmem_shared>>
      tpu.wait_dma2 semaphore(%run_scoped3A : memref<!tpu.dma_semaphore, #tpu.memory_space<semaphore_mem>>) src(%dma_wait3A_103 : memref<640xf32, #tpu.memory_space<vmem_shared>>) dst(%dma_wait3A_102 : memref<640xf32, #tpu.memory_space<hbm>>)
      tpu.yield
    }) : () -> ()
    return
  }
}

module attributes {stable_mosaic.version = 14 : i64} {
  func.func @_mm_body(%arg0: i32, %arg1: memref<1000x128xf32, #tpu.memory_space<vmem>>, %arg2: memref<128x128xf32, #tpu.memory_space<vmem>>, %arg3: memref<128x128xf32, #tpu.memory_space<vmem>>, %arg4: memref<1x128xf32, #tpu.memory_space<vmem>>, %arg5: memref<1000x128xf32, #tpu.memory_space<vmem>>, %arg6: memref<1000x128xf32, #tpu.memory_space<vmem>>) attributes {dimension_semantics = [#tpu.dimension_semantics<arbitrary>], iteration_bounds = array<i64: 10>, scalar_prefetch = 0 : i64, scratch_operands = 0 : i64, tpu.core_type = #tpu.core_type<tc>, window_params = [{transform_indices = @transform_0, window_bounds = array<i64: 1000, 128>}, {pipeline_mode = #tpu.pipeline_mode<synchronous>, transform_indices = @transform_1, window_bounds = array<i64: 128, 128>}, {pipeline_mode = #tpu.pipeline_mode<synchronous>, transform_indices = @transform_2, window_bounds = array<i64: 128, 128>}, {pipeline_mode = #tpu.pipeline_mode<synchronous>, transform_indices = @transform_3, window_bounds = array<i64: 1, 128>}, {transform_indices = @transform_4, window_bounds = array<i64: 1000, 128>}, {transform_indices = @transform_5, window_bounds = array<i64: 1000, 128>}]} {
    %get3A = arith.constant 0 : index
    %get3A_0 = arith.constant 0 : index
    %get3A_1 = vector.load %arg1[%get3A, %get3A_0] : memref<1000x128xf32, #tpu.memory_space<vmem>>, vector<1000x128xf32>
    %get3A_2 = arith.constant 0 : index
    %get3A_3 = arith.constant 0 : index
    %get3A_4 = vector.load %arg2[%get3A_2, %get3A_3] : memref<128x128xf32, #tpu.memory_space<vmem>>, vector<128x128xf32>
    %dot_general3A = arith.constant dense<0.000000e+00> : vector<1000x128xf32>
    %dot_general3A_5 = tpu.matmul %get3A_1, %get3A_4, %dot_general3A {dimension_numbers = #tpu.dot_dimension_numbers<[1], [1], [0], [0], [0, 0, 1, 0], [], []>, transpose_lhs_hint = false} : vector<1000x128xf32>, vector<128x128xf32>, vector<1000x128xf32> -> vector<1000x128xf32>
    %swap3A = arith.constant 0 : index
    %swap3A_6 = arith.constant 0 : index
    %swap3A_7 = vector.load %arg5[%swap3A, %swap3A_6] : memref<1000x128xf32, #tpu.memory_space<vmem>>, vector<1000x128xf32>
    tpu.vector_store %arg5[%swap3A, %swap3A_6], %dot_general3A_5 {strides = array<i32>} : memref<1000x128xf32, #tpu.memory_space<vmem>>, vector<1000x128xf32>,
    %get3A_8 = arith.constant 0 : index
    %get3A_9 = arith.constant 0 : index
    %get3A_10 = vector.load %arg3[%get3A_8, %get3A_9] : memref<128x128xf32, #tpu.memory_space<vmem>>, vector<128x128xf32>
    %dot_general3A_11 = arith.constant dense<0.000000e+00> : vector<1000x128xf32>
    %dot_general3A_12 = tpu.matmul %get3A_1, %get3A_10, %dot_general3A_11 {dimension_numbers = #tpu.dot_dimension_numbers<[1], [1], [0], [0], [0, 0, 1, 0], [], []>, transpose_lhs_hint = false} : vector<1000x128xf32>, vector<128x128xf32>, vector<1000x128xf32> -> vector<1000x128xf32>
    %get3A_13 = arith.constant 0 : index
    %get3A_14 = arith.constant 0 : index
    %get3A_15 = vector.load %arg4[%get3A_13, %get3A_14] : memref<1x128xf32, #tpu.memory_space<vmem>>, vector<1x128xf32>
    %add3A = vector.broadcast %get3A_15 : vector<1x128xf32> to vector<1000x128xf32>
    %add3A_16 = arith.addf %dot_general3A_12, %add3A : vector<1000x128xf32>
    %swap3A_17 = arith.constant 0 : index
    %swap3A_18 = arith.constant 0 : index
    %swap3A_19 = vector.load %arg6[%swap3A_17, %swap3A_18] : memref<1000x128xf32, #tpu.memory_space<vmem>>, vector<1000x128xf32>
    tpu.vector_store %arg6[%swap3A_17, %swap3A_18], %add3A_16 {strides = array<i32>} : memref<1000x128xf32, #tpu.memory_space<vmem>>, vector<1000x128xf32>,
    return
  }
  func.func @transform_0(%arg0: i32) -> (i32, i32) {
    %c0_i32 = arith.constant 0 : i32
    %c0_i32_0 = arith.constant 0 : i32
    return %arg0, %c0_i32 : i32, i32
  }
  func.func @transform_1(%arg0: i32) -> (i32, i32) {
    %c0_i32 = arith.constant 0 : i32
    %c0_i32_0 = arith.constant 0 : i32
    %c0_i32_1 = arith.constant 0 : i32
    return %c0_i32, %c0_i32_0 : i32, i32
  }
  func.func @transform_2(%arg0: i32) -> (i32, i32) {
    %c0_i32 = arith.constant 0 : i32
    %c0_i32_0 = arith.constant 0 : i32
    %c0_i32_1 = arith.constant 0 : i32
    return %c0_i32, %c0_i32_0 : i32, i32
  }
  func.func @transform_3(%arg0: i32) -> (i32, i32) {
    %c0_i32 = arith.constant 0 : i32
    %c0_i32_0 = arith.constant 0 : i32
    %c0_i32_1 = arith.constant 0 : i32
    return %c0_i32, %c0_i32_0 : i32, i32
  }
  func.func @transform_4(%arg0: i32) -> (i32, i32) {
    %c0_i32 = arith.constant 0 : i32
    %c0_i32_0 = arith.constant 0 : i32
    return %arg0, %c0_i32 : i32, i32
  }
  func.func @transform_5(%arg0: i32) -> (i32, i32) {
    %c0_i32 = arith.constant 0 : i32
    %c0_i32_0 = arith.constant 0 : i32
    return %arg0, %c0_i32 : i32, i32
  }
}

module attributes {stable_mosaic.version = 14 : i64} {
  func.func @_ep_body(%arg0: i32, %arg1: memref<1000x128xf32, #tpu.memory_space<vmem>>, %arg2: memref<2x1000x128xf32, #tpu.memory_space<vmem>>, %arg3: memref<1000x2xf32, #tpu.memory_space<vmem>>, %arg4: memref<1000x128xf32, #tpu.memory_space<vmem>>) attributes {dimension_semantics = [#tpu.dimension_semantics<arbitrary>], iteration_bounds = array<i64: 10>, scalar_prefetch = 0 : i64, scratch_operands = 0 : i64, tpu.core_type = #tpu.core_type<tc>, window_params = [{transform_indices = @transform_0, window_bounds = array<i64: 1000, 128>}, {transform_indices = @transform_1, window_bounds = array<i64: 2, 1000, 128>}, {transform_indices = @transform_2, window_bounds = array<i64: 1000, 2>}, {transform_indices = @transform_3, window_bounds = array<i64: 1000, 128>}]} {
    %get3A = arith.constant 0 : index
    %get3A_0 = arith.constant 0 : index
    %get3A_1 = arith.constant 0 : index
    %get3A_2 = vector.load %arg2[%get3A, %get3A_0, %get3A_1] : memref<2x1000x128xf32, #tpu.memory_space<vmem>>, vector<1x1000x128xf32>
    %get3A_3 = vector.shape_cast %get3A_2 : vector<1x1000x128xf32> to vector<1000x128xf32>
    %get3A_4 = arith.constant 1 : index
    %get3A_5 = arith.constant 0 : index
    %get3A_6 = arith.constant 0 : index
    %get3A_7 = vector.load %arg2[%get3A_4, %get3A_5, %get3A_6] : memref<2x1000x128xf32, #tpu.memory_space<vmem>>, vector<1x1000x128xf32>
    %get3A_8 = vector.shape_cast %get3A_7 : vector<1x1000x128xf32> to vector<1000x128xf32>
    %add3A = arith.addf %get3A_3, %get3A_8 : vector<1000x128xf32>
    %get3A_9 = arith.constant 0 : index
    %get3A_10 = arith.constant 0 : index
    %get3A_11 = vector.load %arg3[%get3A_9, %get3A_10] : memref<1000x2xf32, #tpu.memory_space<vmem>>, vector<1000x2xf32>
    %slice3A = vector.extract_strided_slice %get3A_11 {offsets = [0, 0], sizes = [1000, 1], strides = [1, 1]} : vector<1000x2xf32> to vector<1000x1xf32>
    %slice3A_12 = vector.extract_strided_slice %get3A_11 {offsets = [0, 1], sizes = [1000, 1], strides = [1, 1]} : vector<1000x2xf32> to vector<1000x1xf32>
    %add3A_13 = arith.addf %slice3A, %slice3A_12 : vector<1000x1xf32>
    %get3A_14 = arith.constant 0 : index
    %get3A_15 = arith.constant 0 : index
    %get3A_16 = vector.load %arg1[%get3A_14, %get3A_15] : memref<1000x128xf32, #tpu.memory_space<vmem>>, vector<1000x128xf32>
    %max3A = arith.constant 1.000000e+00 : f32
    %max3A_17 = vector.broadcast %max3A : f32 to vector<1000x1xf32>
    %max3A_18 = arith.maximumf %add3A_13, %max3A_17 : vector<1000x1xf32>
    %div3A = vector.broadcast %max3A_18 : vector<1000x1xf32> to vector<1000x128xf32>
    %div3A_19 = arith.divf %add3A, %div3A : vector<1000x128xf32>
    %add3A_20 = arith.addf %get3A_16, %div3A_19 : vector<1000x128xf32>
    %swap3A = arith.constant 0 : index
    %swap3A_21 = arith.constant 0 : index
    %swap3A_22 = vector.load %arg4[%swap3A, %swap3A_21] : memref<1000x128xf32, #tpu.memory_space<vmem>>, vector<1000x128xf32>
    tpu.vector_store %arg4[%swap3A, %swap3A_21], %add3A_20 {strides = array<i32>} : memref<1000x128xf32, #tpu.memory_space<vmem>>, vector<1000x128xf32>,
    return
  }
  func.func @transform_0(%arg0: i32) -> (i32, i32) {
    %c0_i32 = arith.constant 0 : i32
    %c0_i32_0 = arith.constant 0 : i32
    return %arg0, %c0_i32 : i32, i32
  }
  func.func @transform_1(%arg0: i32) -> (i32, i32, i32) {
    %c0_i32 = arith.constant 0 : i32
    %c0_i32_0 = arith.constant 0 : i32
    %c0_i32_1 = arith.constant 0 : i32
    return %c0_i32, %arg0, %c0_i32_0 : i32, i32, i32
  }
  func.func @transform_2(%arg0: i32) -> (i32, i32) {
    %c0_i32 = arith.constant 0 : i32
    %c0_i32_0 = arith.constant 0 : i32
    return %arg0, %c0_i32 : i32, i32
  }
  func.func @transform_3(%arg0: i32) -> (i32, i32) {
    %c0_i32 = arith.constant 0 : i32
    %c0_i32_0 = arith.constant 0 : i32
    return %arg0, %c0_i32 : i32, i32
  }
}

</mosaic_0001>

<sc_bundles>
// kernel: kernel.5.cloned.1.call-start
scs
__scs_entry_jumppad:
0x0: {  	(pc) =	sbr.rel $0x88, $3  }
0x1: {  	(tag) =	ssettag $0x0;
	lr =	simm.s32 $0x1  }
0x2: {  	[smem:$0x3F9C] =	sst lr;
	_ =	strace $0xD0000000  }
0x3: {  	_ = 	snop  }
0x4: {  	_ = 	snop  }
0x5: {  	_ = 	snop  }
0x6: {  	_ = 	snop  }
0x7: {  	_ = 	snop  }
__scs_overlays_trampoline_lowered:
0x8: {  	[smem:$0x3FAB] =	sst s0  }
0x9: {  	[smem:$0x3FAC] =	sst s1  }
0xa: {  	[smem:$0x3FAD] =	sst s2  }
0xb: {  	[smem:$0x3FAE] =	sst s3  }
0xc: {  	[smem:$0x3FAF] =	sst s4  }
0xd: {  	[smem:$0x3FB0] =	sst s5  }
0xe: {  	[smem:$0x3FB1] =	sst s6  }
0xf: {  	[smem:$0x3FB2] =	sst s7  }
0x10: {  	[smem:$0x3FB3] =	sst s8  }
0x11: {  	[smem:$0x3FB4] =	sst s9;
	s0 =	simm.s32 @!p0 $0x0  }
0x12: {  	s1 =	sld [smem:$0x3F9A];
	s0 =	simm.s32 @p0 $0x1  }
0x13: {  	[smem:$0x3FB5] =	sst s0;
	s0 =	simm.s32 @!p1 $0x0  }
0x14: {  	s2 =	sld [smem:$0x3F99];
	s0 =	simm.s32 @p1 $0x1  }
0x15: {  	[smem:$0x3FB6] =	sst s0;
	s0 =	simm.s32 @!p2 $0x0  }
0x16: {  	s3 =	sld [smem:$0x3FDB];
	s0 =	simm.s32 @p2 $0x1  }
0x17: {  	s4 =	simm.s32 $0x1BF5;
	[smem:$0x3FB8] =	sst s0  }
0x18: {  	s0 =	sld [smem:$0x3F9B];
	_ =	swait.ge [sflag:s4], $0x0  }
0x19: {  	s7 =	sld [smem:$0x3F9C]  }
0x1a: {  	s8 =	sadd.s32 $0xFFFFE003, lr  }
0x1b: {  	s9 =	sadd.s32 $0xFFFFFEF7, lr;
	s5 =	simm.s32 $0xFFFFFFFF;
	p2 =	slt.u32 s8, $0xFFFFF086  }
0x1c: {  	p1 =	slt.u32 s9, $0xF7A;
	s5 =	simm.s32 @!p2 $0x0  }
0x1d: {  	s5 =	simm.s32 @p1 $0x1;
	p0 =	seq.s32 s7, s2  }
0x1e: {  	s7 =	smul.u32 @!p0 $0xF7A, s2;
	p2 =	seq.s32 @!p0 s5, $0x0  }
0x1f: {  	s9 =	smul.u32 $0xF7A, s1;
	s8 =	simm.s32 @!p0 $0x1BF5;
	p2 =	por !p2, p0  }
0x20: {  	[sflag:s8] =	ssyncset.s32 @!p0 $0xFFFFF086;
	s6 =	sadd.s32 @!p0 s3, s7;
	s7 =	simm.s32 @!p0 $0x108  }
0x21: {  	s3 =	sadd.s32 s3, s9;
	s6 =	sadd.s32 @!p0 $0x88, s6;
	s7 =	simm.s32 @p2 $0x1082  }
0x22: {  	[simem:s7], [sflag:s8] =	dma.local @!p0 [hbm:s6], $0xF7A  }
0x23: {  	s9 =	sor.u32 $0xD0000000, s2;
	s6 =	simm.s32 $0x108;
	_ =	swait.ge @!p0 [sflag:s8], $0x0  }
0x24: {  	s3 =	sadd.s32 $0x88, s3;
	s6 =	simm.s32 @!p1 $0x1082;
	[sflag:s4] =	ssyncset.s32 $0xFFFFF086  }
0x25: {  	[simem:s6], [sflag:s4] =	dma.local [hbm:s3], $0xF7A  }
0x26: {  	[smem:$0x3F9C] =	sst s1;
	(tag) =	ssettag s2;
	_ =	strace s9  }
0x27: {  	s1 =	sld [smem:$0x3FAC]  }
0x28: {  	s2 =	sld [smem:$0x3FAD]  }
0x29: {  	s4 =	sld [smem:$0x3FAF]  }
0x2a: {  	p0 =	seq.s32 s5, $0x0;
	s5 =	sld [smem:$0x3FB0]  }
0x2b: {  	s6 =	sld [smem:$0x3FB1]  }
0x2c: {  	s7 =	sld [smem:$0x3FB2]  }
0x2d: {  	s3 =	simm.s32 $0x108;
	s8 =	sld [smem:$0x3FB3]  }
0x2e: {  	s3 =	simm.s32 @!p0 $0x1082;
	s9 =	sld [smem:$0x3FB4]  }
0x2f: {  	lr =	sadd.s32 s0, s3;
	s0 =	sld [smem:$0x3FAB]  }
0x30: {  	s3 =	sld [smem:$0x3FAE]  }
0x31: {  	[smem:$0x3FB7] =	sst s10  }
0x32: {  	s10 =	sld [smem:$0x3FB5];
	_ =	sdelay $0x3  }
0x33: {  	p0 =	seq.s32 s10, $0x1;
	s10 =	sld [smem:$0x3FB7];
	_ =	sdelay $0x3  }
0x34: {  	[smem:$0x3FB7] =	sst s10  }
0x35: {  	s10 =	sld [smem:$0x3FB6];
	_ =	sdelay $0x3  }
0x36: {  	p1 =	seq.s32 s10, $0x1;
	s10 =	sld [smem:$0x3FB7];
	_ =	sdelay $0x3  }
0x37: {  	[smem:$0x3FB7] =	sst s10  }
0x38: {  	s10 =	sld [smem:$0x3FB8]  }
0x39: {  	_ = 	snop;
	(pc) =	sbr.ind lr, $3  }
0x3a: {  	_ = 	snop  }
0x3b: {  	_ = 	snop  }
0x3c: {  	p2 =	seq.s32 s10, $0x1;
	s10 =	sld [smem:$0x3FB7]  }
0x3d: {  	_ =	shalt  }
0x3e: {  	_ =	shalt  }
0x3f: {  	_ =	shalt  }
0x40: {  	_ =	shalt  }
0x41: {  	_ =	shalt  }
0x42: {  	_ =	shalt  }
0x43: {  	_ =	shalt  }
0x44: {  	_ =	shalt  }
0x45: {  	_ =	shalt  }
0x46: {  	_ =	shalt  }
0x47: {  	_ =	shalt  }
0x48: {  	_ =	shalt  }
0x49: {  	_ =	shalt  }
0x4a: {  	_ =	shalt  }
0x4b: {  	_ =	shalt  }
0x4c: {  	_ =	shalt  }
0x4d: {  	_ =	shalt  }
0x4e: {  	_ =	shalt  }
0x4f: {  	_ =	shalt  }
0x50: {  	_ =	shalt  }
0x51: {  	_ =	shalt  }
0x52: {  	_ =	shalt  }
0x53: {  	_ =	shalt  }
0x54: {  	_ =	shalt  }
0x55: {  	_ =	shalt  }
0x56: {  	_ =	shalt  }
0x57: {  	_ =	shalt  }
0x58: {  	_ =	shalt  }
0x59: {  	_ =	shalt  }
0x5a: {  	_ =	shalt  }
0x5b: {  	_ =	shalt  }
0x5c: {  	_ =	shalt  }
0x5d: {  	_ =	shalt  }
0x5e: {  	_ =	shalt  }
0x5f: {  	_ =	shalt  }
0x60: {  	_ =	shalt  }
0x61: {  	_ =	shalt  }
0x62: {  	_ =	shalt  }
0x63: {  	_ =	shalt  }
0x64: {  	_ =	shalt  }
0x65: {  	_ =	shalt  }
0x66: {  	_ =	shalt  }
0x67: {  	_ =	shalt  }
0x68: {  	_ =	shalt  }
0x69: {  	_ =	shalt  }
0x6a: {  	_ =	shalt  }
0x6b: {  	_ =	shalt  }
0x6c: {  	_ =	shalt  }
0x6d: {  	_ =	shalt  }
0x6e: {  	_ =	shalt  }
0x6f: {  	_ =	shalt  }
0x70: {  	_ =	shalt  }
0x71: {  	_ =	shalt  }
0x72: {  	_ =	shalt  }
0x73: {  	_ =	shalt  }
0x74: {  	_ =	shalt  }
0x75: {  	_ =	shalt  }
0x76: {  	_ =	shalt  }
0x77: {  	_ =	shalt  }
0x78: {  	_ =	shalt  }
0x79: {  	_ =	shalt  }
0x7a: {  	_ =	shalt  }
0x7b: {  	_ =	shalt  }
0x7c: {  	_ =	shalt  }
0x7d: {  	_ =	shalt  }
0x7e: {  	_ =	shalt  }
0x7f: {  	_ =	shalt  }
0x80: {  	_ =	shalt  }
0x81: {  	_ =	shalt  }
0x82: {  	_ =	shalt  }
0x83: {  	_ =	shalt  }
0x84: {  	_ =	shalt  }
0x85: {  	_ =	shalt  }
0x86: {  	_ =	shalt  }
0x87: {  	_ =	shalt  }
.Lfunc_end0:
.L_simem_size_0:
called_computation_lowered:
.L_overlay_start_0:
0x88: {  	s2 =	sld [smem:$0x3FD9]  }
0x89: {  	s3 =	sld [smem:$0x3FFE];
	_ =	sdelay $0x1  }
0x8a: {  	s1 =	srdreg.scid  }
0x8b: {  	s0 =	sand.u32 $0x1, s1  }
0x8c: {  	s17 =	sshll.u32 s0, $0xA;
	s2 =	sadd.s32 s3, s2  }
0x8d: {  	s2 =	sadd.s32 s2, s17  }
0x8e: {  	[smem:$0x3FC3] =	sst s2  }
0x8f: {  	_ = 	snop  }
0x90: {  	s2 =	sld [smem:$0x3FD0];
	(tm) =	ssettm $0x1  }
0x91: {  	s18 =	sld [smem:$0x3FFB];
	_ =	sdelay $0x3  }
0x92: {  	_ =	strace s18  }
0x93: {  	s3 =	sld [smem:$0x3FFC];
	_ =	sdelay $0x3  }
0x94: {  	_ =	strace s3  }
0x95: {  	s3 =	sld [smem:$0x3FFD];
	_ =	sdelay $0x3  }
0x96: {  	_ =	strace s3  }
0x97: {  	_ =	strace $0x8FFFFFFF  }
0x98: {  	s19 =	sld [smem:$0x3FDB];
	_ =	sdelay $0x1  }
0x99: {  	s4 =	simm.s32 $_scs_section_size  }
0x9a: {  	s5 =	simm.s32 $_size__tile_overlayer_lowered;
	s6 =	simm.s32 $_tile_overlayer_lowered  }
0x9b: {  	s22 =	simm.s32 $0x1BFF;
	s21 =	sshll.u32 s6, $0x1;
	s3 =	sadd.s32 s4, s19  }
0x9c: {  	s7 =	simm.s32 $0x0;
	s20 =	sshll.u32 s5, $0x1;
	s5 =	sadd.s32 s21, s3  }
0x9d: {  	[timem:s7], [sflag:s22] =	dma.local [hbm:s5], s20  }
0x9e: {  	_ =	swait.ge [sflag:s22], s20  }
0x9f: {  	s4 =	ssub.s32 $0x0, s20;
	[sflag:s22] =	ssyncset.done $0x0  }
0xa0: {  	[sflag:s22] =	ssyncadd.s32 s4;
	_ =	sdelay $0x1  }
0xa1: {  	s23 =	simm.s32 $0x1B8B  }
0xa2: {  	_ =	swait.ge [sflag:s23], $0x1  }
0xa3: {  	[sflag:s23] =	ssyncset.done $0x0  }
0xa4: {  	s25 =	simm.s32 $0x1B8E;
	s24 =	sld [smem:$0x3FFE];
	[sflag:s23] =	ssyncadd.s32 $0xFFFFFFFF  }
0xa5: {  	s26 =	simm.s32 $execute0_lowered;
	[smem:$0x3FD2] =	sst s25  }
0xa6: {  	s5 =	sshll.u32 s26, $0x1;
	_ =	strace $0x80000046;
	[dreg:$0x1] =	wrdreg $0xFFFFFFFF  }
0xa7: {  	s28 =	simm.s32 $_size_execute0_lowered;
	s3 =	sadd.s32 s3, s5;
	[dreg:$0x0] =	wrdreg $0x0  }
0xa8: {  	s5 =	sshll.u32 s28, $0x1;
	[dreg:$0x2] =	wrdreg s3  }
0xa9: {  	[dreg:$0x3] =	wrdreg s5  }
0xaa: {  	[dreg:$0x4] =	wrdreg $0xC0  }
0xab: {  	_ =	task [dreg:s7], $0x5FFFF  }
0xac: {  	[dreg:$0x1] =	wrdreg $0xFFFFFFFF  }
0xad: {  	[dreg:$0x0] =	wrdreg $0x60  }
0xae: {  	[dreg:$0x2] =	wrdreg s2  }
0xaf: {  	[dreg:$0x3] =	wrdreg s24  }
0xb0: {  	[dreg:$0x4] =	wrdreg $0xAC000  }
0xb1: {  	[dreg:$0x5] =	wrdreg $0x1EC000  }
0xb2: {  	[dreg:$0x6] =	wrdreg $0x9  }
0xb3: {  	_ =	task.clear_ibuf [dreg:s7], $0x7FFFF;
	_ =	strace $0x90000046  }
0xb4: {  	s29 =	simm.s32 $0x9;
	_ =	strace $0x80000048  }
0xb5: {  	_ =	swait.ge [sflag:s29], $0x1  }
0xb6: {  	[sflag:s29] =	ssyncadd.s32 $0xFFFFFFFF  }
0xb7: {  	_ =	strace $0x90000048  }
0xb8: {  	_ =	sfence  }
0xb9: {  	s30 =	sld [smem:$0x0];
	_ =	sdelay $0x2  }
0xba: {  	s31 =	sshll.u32 s1, $0xD;
	s1 =	sshrl.u32 s1, $0x2  }
0xbb: {  	s3 =	sand.u32 $0x4000, s31;
	s1 =	sadd.s32 s1, s30  }
0xbc: {  	s0 =	sor.u32 s3, s0;
	s1 =	sshll.u32 s1, $0x11  }
0xbd: {  	s0 =	sor.u32 s1, s0  }
0xbe: {  	s0 =	sadd.s32 $0x8F2B, s0  }
0xbf: {  	[sflag:s0] =	ssyncadd.remote.s32 $0x1  }
0xc0: {  	_ =	sfence.sel $0xFFFF  }
0xc1: {  	[dreg:$0x0] =	wrdreg $0xFFFFFFFF;
	(pc) =	sbr.abs _section_cstart, $3  }
0xc2: {  	[dreg:$0x1] =	wrdreg $0xFFFFFFFF  }
0xc3: {  	_ =	task.clear_ibuf [dreg:s7], $0x2FFFF;
	_ =	strace $0x9FFFFFFF  }
0xc4: {  	(tm) =	ssettm $0x7FFFFFFF  }
0xc5: {  	_ =	shalt  }
tec
execute0_lowered:
.L_overlay_start_1:
0x0: {  	(tag) =	ssettag $0x1  }
0x1: {  	s1 =	rddreg [dreg:$0x0]  }
0x2: {  	s6 =	rddreg [dreg:$0x1]  }
0x3: {  	s0 =	srdreg.scid;
	s3 =	rddreg [dreg:$0x2]  }
0x4: {  	s18 =	stileid.u32;
	s4 =	rddreg [dreg:$0x3]  }
0x5: {  	s28 =	simm.s32 $0x2880;
	s29 =	simm.s32 $0x100;
	s30 =	simm.s32 $0x1  }
0x6: {  	s31 =	simm.s32 $0x2;
	s0 =	sand.u32 $0x1, s0;
	s11 =	smul.u32 $0x280, s18  }
0x7: {  	s9 =	sshll.u32 s18, $0x7;
	s26 =	smul.u32 $0x50000, s18;
	s2 =	sshll.u32 s0, $0x4  }
0x8: {  	s9 =	sand.u32 $0x380, s9;
	s24 =	smul.u32 $0x28000, s0;
	s0 =	ssub.s32 $0x2, s0  }
0x9: {  	s7 =	sor.u32 s18, s2;
	s25 =	sshrl.u32 s0, $0x1;
	s2 =	sadd.s32 s2, s6  }
0xa: {  	s14 =	sadd.s32 $0x100, s11;
	s15 =	sadd.s32 $0x200, s11;
	s17 =	sadd.s32 $0x80, s11  }
0xb: {  	s5 =	sshrl.u32 s7, $0x3;
	s7 =	smul.u32 $0x500, s7;
	s13 =	sadd.s32 s24, s6  }
0xc: {  	s0 =	ssub.s32 s0, s25;
	s16 =	sshll.u32 s15, $0x7;
	s20 =	sshll.u32 s17, $0x7  }
0xd: {  	s17 =	sshll.u32 s17, $0x4;
	s15 =	sshll.u32 s15, $0x4;
	s2 =	sadd.s32 $0x15400, s2  }
0xe: {  	s8 =	smul.u32 $0x14000, s5;
	s5 =	simm.s32 $0x0;
	s19 =	sadd.s32 $0x15E00, s13  }
0xf: {  	s22 =	sadd.s32 s20, s3;
	s0 =	smax.u32 s0, $0x1;
	s13 =	simm.s32 $0x4  }
0x10: {  	s20 =	simm.s32 $0x80;
	[smem:$0x7FF] =	sst s5;
	s12 =	sadd.s32 s7, s6  }
0x11: {  	s24 =	sadd.s32 s17, s19;
	s8 =	sor.u32 s9, s8;
	_ =	strace $0x80000047  }
0x12: {  	s9 =	sshll.u32 s14, $0x7;
	s14 =	sshll.u32 s14, $0x4;
	[dreg:$0x6] =	wrdreg s0  }
0x13: {  	[dreg:$0x8] =	wrdreg s24;
	s24 =	sshrl.u32 s22, $0x3;
	s0 =	simm.s32 $0x6900  }
0x14: {  	s22 =	simm.s32 $0x0;
	s8 =	sshrl.u32 s8, $0x3;
	s7 =	sadd.s32 s9, s3  }
0x15: {  	s9 =	sadd.s32 s11, s4;
	s11 =	sadd.s32 $0x180, s11;
	s10 =	sadd.s32 s8, s6  }
0x16: {  	s8 =	sshrl.u32 s26, $0x2;
	s21 =	sshll.u32 s11, $0x7;
	s11 =	sshll.u32 s11, $0x4  }
0x17: {  	s26 =	sadd.s32 s14, s19;
	s14 =	simm.s32 $0x3;
	s6 =	sadd.s32 s8, s3  }
0x18: {  	s8 =	sadd.s32 s16, s3;
	s10 =	sadd.s32 $0x1400, s10;
	s16 =	smul.u32 $0x2800, s18  }
0x19: {  	s25 =	sadd.s32 s21, s3;
	s21 =	smul.u32 $0xA0, s18;
	[dreg:$0x9] =	wrdreg s26  }
0x1a: {  	s18 =	sadd.s32 s11, s19;
	s26 =	simm.s32 $0x2800;
	[dreg:$0x5] =	wrdreg s10  }
0x1b: {  	s10 =	sadd.s32 $0xB400, s12;
	s12 =	simm.s32 $0x2900;
	s25 =	sshrl.u32 s25, $0x3  }
0x1c: {  	s23 =	sadd.s32 s16, s19;
	s19 =	sadd.s32 s15, s19;
	s21 =	sadd.s32 s21, s2  }
0x1d: {  	v0 =	vimm.f32 $0.0e+00;
	v1 =	vimm.f32 $1.000000000e+00;
	s2 =	simm.s32 $0xA900;
	[dreg:$0x7] =	wrdreg s23;
	s23 =	sadd.s32 $0x10, s10  }
.LBB2_1:
0x1e: {  	s10 =	simm.s32 $0x0;
	s11 =	simm.s32 $0x200  }
.LBB2_2:
0x1f: {  	p0 =	sne.s32 s11, $0x1FE00;
	[tilespmem:s10+$0x2970] =	vst v0  }
0x20: {  	[tilespmem:s10+$0x2900] =	vst v0  }
0x21: {  	[tilespmem:s10+$0x2910] =	vst v0  }
.Ltmp0:
0x22: {  	[tilespmem:s10+$0x2920] =	vst v0;
	(pc) =	sbr.rel @p0 .LBB2_2-.Ltmp0, $4  }
0x23: {  	[tilespmem:s10+$0x2930] =	vst v0  }
0x24: {  	[tilespmem:s10+$0x2940] =	vst v0  }
0x25: {  	[tilespmem:s10+$0x2950] =	vst v0  }
0x26: {  	[tilespmem:s10+$0x2960] =	vst v0;
	s10 =	sshra.s32 s11, $0x2;
	s11 =	sadd.s32 $0x200, s11  }
0x27: {  	[tilespmem:s10+$0x2970] =	vst v0  }
0x28: {  	[tilespmem:s10+$0x2900] =	vst v0  }
0x29: {  	[tilespmem:s10+$0x2910] =	vst v0  }
0x2a: {  	[tilespmem:s10+$0x2920] =	vst v0  }
0x2b: {  	[tilespmem:s10+$0x2930] =	vst v0  }
0x2c: {  	[tilespmem:s10+$0x2940] =	vst v0  }
0x2d: {  	[tilespmem:s10+$0x2950] =	vst v0  }
0x2e: {  	[tilespmem:s10+$0x2960] =	vst v0  }
0x2f: {  	[tilespmem:$0xA900] =	vst v1  }
0x30: {  	[tilespmem:$0xA910] =	vst v1  }
0x31: {  	[tilespmem:$0xA920] =	vst v1  }
0x32: {  	[tilespmem:$0xA930] =	vst v1  }
0x33: {  	[tilespmem:$0xA940] =	vst v1  }
0x34: {  	[tilespmem:$0xA950] =	vst v1  }
0x35: {  	[tilespmem:$0xA960] =	vst v1  }
0x36: {  	[tilespmem:$0xA970] =	vst v1  }
0x37: {  	[tilespmem:$0xA980] =	vst v0  }
0x38: {  	[tilespmem:$0xA990] =	vst v0  }
0x39: {  	[tilespmem:$0xA9A0] =	vst v0  }
0x3a: {  	[tilespmem:$0xA9B0] =	vst v0  }
0x3b: {  	[tilespmem:$0xA9C0] =	vst v0  }
0x3c: {  	[tilespmem:$0xA9D0] =	vst v0  }
0x3d: {  	[tilespmem:$0xA9E0] =	vst v0  }
0x3e: {  	[tilespmem:$0xA9F0] =	vst v0  }
0x3f: {  	[tilespmem:$0xAA00] =	vst v0  }
0x40: {  	[tilespmem:$0xAA10] =	vst v0  }
0x41: {  	[tilespmem:$0xAA20] =	vst v0  }
0x42: {  	[tilespmem:$0xAA30] =	vst v0  }
0x43: {  	[tilespmem:$0xAA40] =	vst v0  }
0x44: {  	[tilespmem:$0xAA50] =	vst v0  }
0x45: {  	[tilespmem:$0xAA60] =	vst v0  }
0x46: {  	[tilespmem:$0xAA70] =	vst v0  }
0x47: {  	[tilespmem:$0xAA80] =	vst v0  }
0x48: {  	[tilespmem:$0xAA90] =	vst v0  }
0x49: {  	[tilespmem:$0xAAA0] =	vst v0  }
0x4a: {  	[tilespmem:$0xAAB0] =	vst v0  }
0x4b: {  	[tilespmem:$0xAAC0] =	vst v0  }
0x4c: {  	[tilespmem:$0xAAD0] =	vst v0  }
0x4d: {  	[tilespmem:$0xAAE0] =	vst v0  }
0x4e: {  	[tilespmem:$0xAAF0] =	vst v0  }
0x4f: {  	[tilespmem:$0xAB00] =	vst v0  }
0x50: {  	[tilespmem:$0xAB10] =	vst v0  }
0x51: {  	[tilespmem:$0xAB20] =	vst v0  }
0x52: {  	[tilespmem:$0xAB30] =	vst v0  }
0x53: {  	[tilespmem:$0xAB40] =	vst v0  }
0x54: {  	[tilespmem:$0xAB50] =	vst v0  }
0x55: {  	[tilespmem:$0xAB60] =	vst v0  }
0x56: {  	[tilespmem:$0xAB70] =	vst v0  }
0x57: {  	[tilespmem:$0xAB80] =	vst v0  }
0x58: {  	[tilespmem:$0xAB90] =	vst v0  }
0x59: {  	[tilespmem:$0xABA0] =	vst v0  }
0x5a: {  	[tilespmem:$0xABB0] =	vst v0  }
0x5b: {  	[tilespmem:$0xABC0] =	vst v0  }
0x5c: {  	[tilespmem:$0xABD0] =	vst v0  }
0x5d: {  	[tilespmem:$0xABE0] =	vst v0  }
0x5e: {  	[tilespmem:$0xABF0] =	vst v0  }
0x5f: {  	[spmem:s6] =	stream.linear.scatter [tilespmem:s12], [sflag:$0x4], $0x8000, $0x38;
	[tilespmem:$0x1EE80] =	vst v63  }
0x60: {  	_ =	swait.ge [sflag:s13], $0x8000  }
0x61: {  	[sflag:s13] =	ssyncset.done $0x0  }
0x62: {  	[sflag:s13] =	ssyncadd.s32 $0xFFFF8000  }
0x63: {  	[spmem:s7] =	stream.linear.scatter [tilespmem:s12], [sflag:$0x4], $0x8000, $0x38;
	[tilespmem:$0x1EE80] =	vst v63  }
0x64: {  	_ =	swait.ge [sflag:s13], $0x8000  }
0x65: {  	[sflag:s13] =	ssyncset.done $0x0  }
0x66: {  	[sflag:s13] =	ssyncadd.s32 $0xFFFF8000  }
0x67: {  	[spmem:s8] =	stream.linear.scatter [tilespmem:s12], [sflag:$0x4], $0x4000, $0x38;
	[tilespmem:$0x1EE80] =	vst v63  }
0x68: {  	_ =	swait.ge [sflag:s13], $0x4000  }
0x69: {  	[sflag:s13] =	ssyncset.done $0x0  }
0x6a: {  	s16 =	simm.s32 $0xA980;
	[sflag:s13] =	ssyncadd.s32 $0xFFFFC000  }
0x6b: {  	[spmem:s9] =	stream.linear.scatter [tilespmem:s16], [sflag:$0x4], $0x280, $0x38;
	[tilespmem:$0x1EE80] =	vst v63  }
0x6c: {  	_ =	swait.ge [sflag:s13], $0x280  }
0x6d: {  	[sflag:s13] =	ssyncset.done $0x0  }
0x6e: {  	[sflag:s13] =	ssyncadd.s32 $0xFFFFFD80  }
0x6f: {  	[bflag:$0x0] =	sbarrier.arrive $0xFFFF  }
0x70: {  	s17 =	simm.s32 $0x0;
	s15 =	simm.s32 $0x400;
	s11 =	rddreg [dreg:$0x5]  }
0x71: {  	[tilespmem:s17], [sflag:$0x4] =	stream.strided.gather [hbm4b:s11+s20], $0x2800, s15, s20, $0x38;
	[tilespmem:$0x1EE80] =	vst v63  }
0x72: {  	_ =	swait.ge [sflag:s13], $0x2800  }
0x73: {  	[sflag:s13] =	ssyncset.done $0x0  }
0x74: {  	s16 =	sadd.s32 $0xFFFFFFF0, s23;
	[sflag:s13] =	ssyncadd.s32 $0xFFFFD800  }
0x75: {  	[tilespmem:s26], [sflag:$0x2] =	stream.linear.gather [hbm4b:s16+s5], $0x80, $0x38;
	[tilespmem:$0x1EE80] =	vst v63  }
0x76: {  	_ = 	snop  }
0x77: {  	[tilespmem:s28], [sflag:$0x3] =	stream.linear.gather [hbm4b:s23+s5], $0x80, $0x38;
	[tilespmem:$0x1EE80] =	vst v63  }
0x78: {  	s17 =	simm.s32 $0x0  }
0x79: {  	[tilespmem:s12], [sflag:$0x1] =	stream.indirect.gather [hbm4b:s1+s29], $0x80, s17, s29, $0xb8;
	[tilespmem:$0x1EE80] =	vst v63  }
0x7a: {  	_ =	swait.ge [sflag:s30], $0x8000  }
0x7b: {  	[sflag:s30] =	ssyncset.done $0x0  }
0x7c: {  	[sflag:s30] =	ssyncadd.s32 $0xFFFF8000  }
0x7d: {  	_ =	swait.ge [sflag:s31], $0x80  }
0x7e: {  	[sflag:s31] =	ssyncset.done $0x0  }
0x7f: {  	[sflag:s31] =	ssyncadd.s32 $0xFFFFFF80  }
0x80: {  	[spmem:s3] =	stream.indirect.scatter.add.f32 [tilespmem:s12], [sflag:$0x4], $0x80, s26, s20, $0xb8;
	[tilespmem:$0x1EE80] =	vst v63  }
0x81: {  	_ =	swait.ge [sflag:s13], $0x4000  }
0x82: {  	[sflag:s13] =	ssyncset.done $0x0  }
0x83: {  	[sflag:s13] =	ssyncadd.s32 $0xFFFFC000  }
0x84: {  	[spmem:s4] =	stream.indirect.scatter.add.f32 [tilespmem:s2], [sflag:$0x4], $0x1, s26, s20, $0xb8;
	[tilespmem:$0x1EE80] =	vst v63  }
0x85: {  	_ =	swait.ge [sflag:s13], $0x80  }
0x86: {  	[sflag:s13] =	ssyncset.done $0x0  }
0x87: {  	[sflag:s13] =	ssyncadd.s32 $0xFFFFFF80  }
0x88: {  	_ =	swait.ge [sflag:s14], $0x80  }
0x89: {  	[sflag:s14] =	ssyncset.done $0x0  }
0x8a: {  	[sflag:s14] =	ssyncadd.s32 $0xFFFFFF80  }
0x8b: {  	[spmem:s3] =	stream.indirect.scatter.add.f32 [tilespmem:s0], [sflag:$0x4], $0x80, s28, s20, $0xb8;
	[tilespmem:$0x1EE80] =	vst v63  }
0x8c: {  	_ =	swait.ge [sflag:s13], $0x4000  }
0x8d: {  	[sflag:s13] =	ssyncset.done $0x0  }
0x8e: {  	[sflag:s13] =	ssyncadd.s32 $0xFFFFC000  }
0x8f: {  	[spmem:s4] =	stream.indirect.scatter.add.f32 [tilespmem:s2], [sflag:$0x4], $0x1, s28, s20, $0xb8;
	[tilespmem:$0x1EE80] =	vst v63  }
0x90: {  	s10 =	simm.s32 $0x400;
	_ =	swait.ge [sflag:s13], $0x80  }
0x91: {  	s15 =	simm.s32 $0x800;
	s11 =	sadd.s32 $0x20, s23;
	[sflag:s13] =	ssyncset.done $0x0  }
.LBB2_4:
0x92: {  	p0 =	sne.s32 s15, $0x9C00;
	s16 =	sadd.s32 $0xFFFFFFF0, s11;
	[sflag:s13] =	ssyncadd.s32 $0xFFFFFF80  }
0x93: {  	[tilespmem:s26], [sflag:$0x2] =	stream.linear.gather [hbm4b:s16+s5], $0x80, $0x38;
	[tilespmem:$0x1EE80] =	vst v63  }
0x94: {  	s16 =	smov.u32 s15;
	s15 =	sadd.s32 $0x400, s15  }
0x95: {  	[tilespmem:s28], [sflag:$0x3] =	stream.linear.gather [hbm4b:s11+s5], $0x80, $0x38;
	[tilespmem:$0x1EE80] =	vst v63  }
0x96: {  	s17 =	sshra.s32 s10, $0x2;
	s10 =	smov.u32 s16  }
0x97: {  	[tilespmem:s12], [sflag:$0x1] =	stream.indirect.gather [hbm4b:s1+s29], $0x80, s17, s29, $0xb8;
	[tilespmem:$0x1EE80] =	vst v63  }
0x98: {  	_ =	swait.ge [sflag:s30], $0x8000  }
0x99: {  	[sflag:s30] =	ssyncset.done $0x0  }
0x9a: {  	[sflag:s30] =	ssyncadd.s32 $0xFFFF8000  }
0x9b: {  	_ =	swait.ge [sflag:s31], $0x80  }
0x9c: {  	[sflag:s31] =	ssyncset.done $0x0  }
0x9d: {  	[sflag:s31] =	ssyncadd.s32 $0xFFFFFF80  }
0x9e: {  	[spmem:s3] =	stream.indirect.scatter.add.f32 [tilespmem:s12], [sflag:$0x4], $0x80, s26, s20, $0xb8;
	[tilespmem:$0x1EE80] =	vst v63  }
0x9f: {  	_ =	swait.ge [sflag:s13], $0x4000  }
0xa0: {  	[sflag:s13] =	ssyncset.done $0x0  }
0xa1: {  	[sflag:s13] =	ssyncadd.s32 $0xFFFFC000  }
0xa2: {  	[spmem:s4] =	stream.indirect.scatter.add.f32 [tilespmem:s2], [sflag:$0x4], $0x1, s26, s20, $0xb8;
	[tilespmem:$0x1EE80] =	vst v63  }
0xa3: {  	_ =	swait.ge [sflag:s13], $0x80  }
0xa4: {  	[sflag:s13] =	ssyncset.done $0x0  }
0xa5: {  	[sflag:s13] =	ssyncadd.s32 $0xFFFFFF80  }
0xa6: {  	_ =	swait.ge [sflag:s14], $0x80  }
0xa7: {  	[sflag:s14] =	ssyncset.done $0x0  }
0xa8: {  	[sflag:s14] =	ssyncadd.s32 $0xFFFFFF80  }
0xa9: {  	[spmem:s3] =	stream.indirect.scatter.add.f32 [tilespmem:s0], [sflag:$0x4], $0x80, s28, s20, $0xb8;
	[tilespmem:$0x1EE80] =	vst v63  }
0xaa: {  	_ =	swait.ge [sflag:s13], $0x4000  }
.Ltmp1:
0xab: {  	[sflag:s13] =	ssyncset.done $0x0;
	(pc) =	sbr.rel @p0 .LBB2_4-.Ltmp1, $4  }
0xac: {  	[sflag:s13] =	ssyncadd.s32 $0xFFFFC000  }
0xad: {  	[spmem:s4] =	stream.indirect.scatter.add.f32 [tilespmem:s2], [sflag:$0x4], $0x1, s28, s20, $0xb8;
	[tilespmem:$0x1EE80] =	vst v63  }
0xae: {  	_ =	swait.ge [sflag:s13], $0x80  }
0xaf: {  	s11 =	sadd.s32 $0x20, s11;
	[sflag:s13] =	ssyncset.done $0x0  }
0xb0: {  	s15 =	sadd.s32 $0xFFFFFFF0, s11;
	[sflag:s13] =	ssyncadd.s32 $0xFFFFFF80  }
0xb1: {  	[tilespmem:s26], [sflag:$0x2] =	stream.linear.gather [hbm4b:s15+s5], $0x80, $0x38;
	[tilespmem:$0x1EE80] =	vst v63  }
0xb2: {  	_ = 	snop  }
0xb3: {  	[tilespmem:s28], [sflag:$0x3] =	stream.linear.gather [hbm4b:s11+s5], $0x80, $0x38;
	[tilespmem:$0x1EE80] =	vst v63  }
0xb4: {  	s10 =	sshra.s32 s10, $0x2  }
0xb5: {  	[tilespmem:s12], [sflag:$0x1] =	stream.indirect.gather [hbm4b:s1+s29], $0x80, s10, s29, $0xb8;
	[tilespmem:$0x1EE80] =	vst v63  }
0xb6: {  	_ =	swait.ge [sflag:s30], $0x8000  }
0xb7: {  	[sflag:s30] =	ssyncset.done $0x0  }
0xb8: {  	[sflag:s30] =	ssyncadd.s32 $0xFFFF8000  }
0xb9: {  	_ =	swait.ge [sflag:s31], $0x80  }
0xba: {  	[sflag:s31] =	ssyncset.done $0x0  }
0xbb: {  	[sflag:s31] =	ssyncadd.s32 $0xFFFFFF80  }
0xbc: {  	[spmem:s3] =	stream.indirect.scatter.add.f32 [tilespmem:s12], [sflag:$0x4], $0x80, s26, s20, $0xb8;
	[tilespmem:$0x1EE80] =	vst v63  }
0xbd: {  	_ =	swait.ge [sflag:s13], $0x4000  }
0xbe: {  	[sflag:s13] =	ssyncset.done $0x0  }
0xbf: {  	[sflag:s13] =	ssyncadd.s32 $0xFFFFC000  }
0xc0: {  	[spmem:s4] =	stream.indirect.scatter.add.f32 [tilespmem:s2], [sflag:$0x4], $0x1, s26, s20, $0xb8;
	[tilespmem:$0x1EE80] =	vst v63  }
0xc1: {  	_ =	swait.ge [sflag:s13], $0x80  }
0xc2: {  	[sflag:s13] =	ssyncset.done $0x0  }
0xc3: {  	[sflag:s13] =	ssyncadd.s32 $0xFFFFFF80  }
0xc4: {  	_ =	swait.ge [sflag:s14], $0x80  }
0xc5: {  	[sflag:s14] =	ssyncset.done $0x0  }
0xc6: {  	[sflag:s14] =	ssyncadd.s32 $0xFFFFFF80  }
0xc7: {  	[spmem:s3] =	stream.indirect.scatter.add.f32 [tilespmem:s0], [sflag:$0x4], $0x80, s28, s20, $0xb8;
	[tilespmem:$0x1EE80] =	vst v63  }
0xc8: {  	_ =	swait.ge [sflag:s13], $0x4000  }
0xc9: {  	[sflag:s13] =	ssyncset.done $0x0  }
0xca: {  	[sflag:s13] =	ssyncadd.s32 $0xFFFFC000  }
0xcb: {  	[spmem:s4] =	stream.indirect.scatter.add.f32 [tilespmem:s2], [sflag:$0x4], $0x1, s28, s20, $0xb8;
	[tilespmem:$0x1EE80] =	vst v63  }
0xcc: {  	_ =	swait.ge [sflag:s13], $0x80  }
0xcd: {  	[sflag:s13] =	ssyncset.done $0x0  }
0xce: {  	s11 =	stileid.u32;
	[sflag:s13] =	ssyncadd.s32 $0xFFFFFF80  }
0xcf: {  	s10 =	sshll.u32 s11, $0x6;
	[bflag:$0x0] =	sbarrier.arrive $0xFFFF  }
0xd0: {  	s15 =	sshrl.u32 s6, $0x3;
	s10 =	sor.u32 $0x1C04, s10;
	s16 =	rddreg [dreg:$0x7]  }
0xd1: {  	[hbm:s16], [sflag:s10] =	dma.local [spmem:s15], $0x800  }
0xd2: {  	_ =	swait.ge [sflag:s13], $0x800  }
0xd3: {  	[sflag:s13] =	ssyncset.done $0x0  }
0xd4: {  	s17 =	rddreg [dreg:$0x8];
	[sflag:s13] =	ssyncadd.s32 $0xFFFFF800  }
0xd5: {  	[hbm:s17], [sflag:s10] =	dma.local [spmem:s24], $0x800  }
0xd6: {  	_ =	swait.ge [sflag:s13], $0x800  }
0xd7: {  	[sflag:s13] =	ssyncset.done $0x0  }
0xd8: {  	s15 =	sshrl.u32 s7, $0x3;
	s16 =	rddreg [dreg:$0x9];
	[sflag:s13] =	ssyncadd.s32 $0xFFFFF800  }
0xd9: {  	[hbm:s16], [sflag:s10] =	dma.local [spmem:s15], $0x800  }
0xda: {  	_ =	swait.ge [sflag:s13], $0x800  }
0xdb: {  	[sflag:s13] =	ssyncset.done $0x0  }
0xdc: {  	[sflag:s13] =	ssyncadd.s32 $0xFFFFF800  }
0xdd: {  	[hbm:s18], [sflag:s10] =	dma.local [spmem:s25], $0x800  }
0xde: {  	_ =	swait.ge [sflag:s13], $0x800  }
0xdf: {  	[sflag:s13] =	ssyncset.done $0x0  }
0xe0: {  	s17 =	sshrl.u32 s8, $0x3;
	[sflag:s13] =	ssyncadd.s32 $0xFFFFF800  }
0xe1: {  	[hbm:s19], [sflag:s10] =	dma.local [spmem:s17], $0x800  }
0xe2: {  	_ =	swait.ge [sflag:s13], $0x800  }
0xe3: {  	s15 =	sshrl.u32 s9, $0x3;
	[sflag:s13] =	ssyncset.done $0x0  }
0xe4: {  	s16 =	simm.s32 $0x10;
	s17 =	simm.s32 $0x20;
	[sflag:s13] =	ssyncadd.s32 $0xFFFFF800  }
0xe5: {  	[hbm:s21@s17], [sflag:s10] =	dma.strided [spmem:s15@s16], $0x50, s30, $0x10   }
0xe6: {  	_ =	swait.ge [sflag:s13], $0x50  }
0xe7: {  	s22 =	sadd.s32 $0x1, s22;
	s17 =	rddreg [dreg:$0x6]  }
0xe8: {  	p0 =	sne.s32 s22, s17  }
.Ltmp2:
0xe9: {  	_ = 	snop;
	(pc) =	sbr.rel @p0 .LBB2_1-.Ltmp2, $3  }
0xea: {  	_ =	sdelay $0x1  }
0xeb: {  	[sflag:s13] =	ssyncset.done $0x0  }
0xec: {  	[sflag:s13] =	ssyncadd.s32 $0xFFFFFFB0  }
0xed: {  	_ =	sfence.sel $0x180000  }
0xee: {  	[bflag:$0x0] =	sbarrier.arrive $0xFFFF  }
0xef: {  	_ =	strace $0x90000047  }
0xf0: {  	s0 =	stileid.u32;
	[bflag:$0x2] =	sbarrier.arrive $0xFFFF  }
0xf1: {  	p0 =	sne.s32 s0, $0x0;
	s0 =	rddreg [dreg:$0x4]  }
0xf2: {  	s0 =	sadd.s32 @!p0 $0x100000, s0  }
0xf3: {  	[sflag:s0] =	ssyncadd.tile.s32 @!p0 $0x1;
	_ =	shalt  }
.Lfunc_end2:
_tile_overlayer_lowered:
.L_overlay_start_2:
0xf4: {  	(tag) =	ssettag $0x2  }
0xf5: {  	s0 =	rddreg [dreg:$0x0];
	s2 =	stileid.u32  }
0xf6: {  	s1 =	rddreg [dreg:$0x1];
	p0 =	sne.s32 s2, $0x0  }
0xf7: {  	s3 =	rddreg [dreg:$0x2];
	[bflag:$0x3] =	sbarrier.arrive $0xFFFF;
	s2 =	simm.s32 @!p0 $0x1C04  }
0xf8: {  	[timem:s3], [sflag:s2] =	dma.local @!p0 [hbm:s0], s1  }
0xf9: {  	s0 =	simm.s32 @!p0 $0x4  }
0xfa: {  	_ =	swait.ge @!p0 [sflag:s0], s1  }
0xfb: {  	s1 =	ssub.s32 @!p0 $0x0, s1;
	[sflag:s0] =	ssyncset.done @!p0 $0x0  }
0xfc: {  	[sflag:s0] =	ssyncadd.s32 @!p0 s1  }
0xfd: {  	[bflag:$0x3] =	sbarrier.arrive $0xFFFF  }
0xfe: {  	_ =	shalt  }

</sc_bundles>
